<compile_context>
chip_gen: v7x
topology: tpu7x:2x2x1
jax: 0.10.2.dev20260603
libtpu: 0.0.44.dev20260713+nightly
codegen_flags: <defaults>
</compile_context>

<pallas_src>
import functools

import jax
import jax.numpy as jnp
from jax import lax
from jax.experimental import pallas as pl
from jax.experimental.pallas import tpu as pltpu
from jax.experimental.pallas import tpu_sc as plsc

N = 10000
D = 128
E = 320000
R = 5
SROWS = R + 1
LANES = 16
NC = 2
NS = 16
NW = NC * NS
EPW = E // NW
GROUPS = EPW // LANES


KU = 25
OUTERS = GROUPS // KU


CAPC = GROUPS + 1


def _sc_body(ei_hbm, typ_hbm, x_hbm, s_out, deg_out,
             dst_v, src_v, typ_v, sl_v, tl_v, si16_v, ti16_v, rows_v, zero_v,
             deg_v, hitv_v, sacc_sh, sem, dsem):
    cid = lax.axis_index("c")
    sid = lax.axis_index("s")
    wid = sid * NC + cid
    base = wid * EPW

    dcp = pltpu.async_copy(ei_hbm.at[pl.ds(E + base, EPW)], dst_v, dsem)
    scp = pltpu.async_copy(ei_hbm.at[pl.ds(base, EPW)], src_v, dsem)
    tcp = pltpu.async_copy(typ_hbm.at[pl.ds(base, EPW)], typ_v, dsem)

    zero16 = jnp.zeros((LANES,), jnp.float32)
    for r in range(SROWS):
        for c in range(D // LANES):
            zero_v[r, pl.ds(c * LANES, LANES)] = zero16
    deg_v[...] = zero16

    @pl.when(sid == 0)
    def _():
        pltpu.sync_copy(zero_v, sacc_sh)

    plsc.subcore_barrier()
    dcp.wait()
    scp.wait()
    tcp.wait()

    def handle_group(g, nm):
        chunk = dst_v[pl.ds(g * LANES, LANES)]
        m = chunk == 0
        cnt = plsc.all_reduce_population_count(m)

        def hitcase(nm):
            deg_v[...] = deg_v[...] + jnp.where(m, 1.0, 0.0)
            plsc.store_compressed(sl_v.at[pl.ds(nm, LANES)],
                                  src_v[pl.ds(g * LANES, LANES)], mask=m)
            plsc.store_compressed(tl_v.at[pl.ds(nm, LANES)],
                                  typ_v[pl.ds(g * LANES, LANES)], mask=m)
            return nm + cnt[0]

        return lax.cond(cnt[0] > 0, hitcase, lambda nm: nm, nm)

    def drain(nm):
        sl_v[pl.ds(nm, LANES)] = jnp.zeros((LANES,), jnp.int32)
        tl_v[pl.ds(nm, LANES)] = jnp.full((LANES,), R, jnp.int32)
        nchunks = (nm + LANES - 1) // LANES

        def one(i, c3):
            si16_v[0, :] = sl_v[pl.ds(i * LANES, LANES)]
            ti16_v[0, :] = tl_v[pl.ds(i * LANES, LANES)]
            pltpu.async_copy(x_hbm.at[si16_v.at[0]], rows_v, sem).wait()
            pltpu.sync_copy(rows_v, sacc_sh.at[ti16_v.at[0]], add=True)
            return c3
        lax.fori_loop(0, nchunks, one, 0)

    @plsc.parallel_loop(0, OUTERS, unroll=4)
    def _p1(go):
        hit = jnp.zeros((LANES,), jnp.int32)
        for k in range(KU):
            chunk = dst_v[pl.ds((go * KU + k) * LANES, LANES)]
            hit = hit | jnp.where(chunk == 0, 1, 0)
        hitv_v[pl.ds(go * LANES, LANES)] = hit

    def outer(go, h):
        hv = hitv_v[pl.ds(go * LANES, LANES)]
        hcnt = plsc.all_reduce_population_count(hv > 0)

        def scan_block(h):
            def sub(k, h):
                return handle_group(go * KU + k, h)
            return lax.fori_loop(0, KU, sub, h)

        return lax.cond(hcnt[0] > 0, scan_block, lambda h: h, h)

    h = lax.fori_loop(0, OUTERS, outer, 0)
    drain(h)

    pltpu.sync_copy(deg_v, deg_out.at[wid])

    plsc.subcore_barrier()

    @pl.when(sid == 0)
    def _():
        pltpu.sync_copy(sacc_sh, s_out.at[cid])


@functools.cache
def _make_sc_scan():
    return pl.kernel(
        _sc_body,
        out_type=(
            jax.ShapeDtypeStruct((NC, SROWS, D), jnp.float32),
            jax.ShapeDtypeStruct((NW, LANES), jnp.float32),
        ),
        mesh=plsc.VectorSubcoreMesh(core_axis_name="c", subcore_axis_name="s"),
        compiler_params=pltpu.CompilerParams(needs_layout_passes=False),
        scratch_types=[
            pltpu.VMEM((EPW,), jnp.int32),
            pltpu.VMEM((EPW,), jnp.int32),
            pltpu.VMEM((EPW,), jnp.int32),
            pltpu.VMEM((CAPC * LANES,), jnp.int32),
            pltpu.VMEM((CAPC * LANES,), jnp.int32),
            pltpu.VMEM((1, LANES), jnp.int32),
            pltpu.VMEM((1, LANES), jnp.int32),
            pltpu.VMEM((LANES, D), jnp.float32),
            pltpu.VMEM((SROWS, D), jnp.float32),
            pltpu.VMEM((LANES,), jnp.float32),
            pltpu.VMEM((OUTERS * LANES,), jnp.int32),
            pltpu.VMEM_SHARED((SROWS, D), jnp.float32),
            pltpu.SemaphoreType.DMA,
            pltpu.SemaphoreType.DMA,
        ],
    )


def _tc_body(sc_ref, deg_ref, att_ref, basis_ref, root_ref, bias_ref,
             x0_ref, Wg_ref, bg_ref, Ws_ref, bs_ref, outg_ref, outs_ref):
    s_sum = jnp.sum(sc_ref[:, 0:R, :], axis=0)
    deg = jnp.sum(deg_ref[...])
    c = lax.dot_general(att_ref[...], s_sum, (((0,), (0,)), ((), ())),
                        preferred_element_type=jnp.float32)
    agg = jnp.zeros((1, D), jnp.float32)
    for b in range(R):
        agg = agg + jnp.dot(c[b:b + 1, :], basis_ref[b],
                            preferred_element_type=jnp.float32)
    scale = 1.0 / jnp.maximum(deg, 1.0)
    v = jnp.maximum(
        agg * scale
        + jnp.dot(x0_ref[0:1, :], root_ref[...], preferred_element_type=jnp.float32)
        + bias_ref[...],
        0.0,
    )
    lg = jnp.dot(v, Wg_ref[...], preferred_element_type=jnp.float32) + bg_ref[...]
    ls = jnp.dot(v, Ws_ref[...], preferred_element_type=jnp.float32) + bs_ref[...]
    mg = jnp.max(lg)
    outg_ref[...] = lg - mg - jnp.log(jnp.sum(jnp.exp(lg - mg)))
    ms = jnp.max(ls)
    outs_ref[...] = ls - ms - jnp.log(jnp.sum(jnp.exp(ls - ms)))


def _tc_heads(sc3, deg_parts, att, basis, root, bias, x, Wg, bg, Ws, bs):
    ng = Wg.shape[1]
    ns = Ws.shape[1]
    return pl.pallas_call(
        _tc_body,
        grid=(1,),
        in_specs=[
            pl.BlockSpec(sc3.shape, lambda i: (0, 0, 0)),
            pl.BlockSpec(deg_parts.shape, lambda i: (0, 0)),
            pl.BlockSpec(att.shape, lambda i: (0, 0)),
            pl.BlockSpec(basis.shape, lambda i: (0, 0, 0)),
            pl.BlockSpec(root.shape, lambda i: (0, 0)),
            pl.BlockSpec((1, D), lambda i: (0, 0)),
            pl.BlockSpec((8, D), lambda i: (0, 0)),
            pl.BlockSpec(Wg.shape, lambda i: (0, 0)),
            pl.BlockSpec((1, ng), lambda i: (0, 0)),
            pl.BlockSpec(Ws.shape, lambda i: (0, 0)),
            pl.BlockSpec((1, ns), lambda i: (0, 0)),
        ],
        out_specs=(
            pl.BlockSpec((1, ng), lambda i: (0, 0)),
            pl.BlockSpec((1, ns), lambda i: (0, 0)),
        ),
        out_shape=(
            jax.ShapeDtypeStruct((1, ng), jnp.float32),
            jax.ShapeDtypeStruct((1, ns), jnp.float32),
        ),
    )(sc3, deg_parts, att, basis, root, bias.reshape(1, D), x, Wg,
      bg.reshape(1, ng), Ws, bs.reshape(1, ns))


@jax.jit
def kernel(x, basis, att, root, bias, Wg, bg, Ws, bs, edge_index, edge_type):
    sc3, deg_parts = _make_sc_scan()(edge_index.reshape(2 * E), edge_type, x)
    outg, outs = _tc_heads(sc3, deg_parts, att, basis, root, bias,
                           x, Wg, bg, Ws, bs)
    return (outg, outs)

# --- scband reference (transcript-rebuilt; emitter-appended) ---
"""Pipeline reference for scband-premade-rgcn-721554506567 (READ-ONLY COPY).

The authoritative reference and input builder live on the scoring server;
editing this copy changes nothing except your own understanding.
"""

import jax, jax.numpy as jnp
import numpy as np

N = 10000          # num nodes
D = 128            # feature dim (in = out)
E = 320000         # num edges
R = 5              # num_relations == num_bases
LAST_SENSES = 2000   # node_types.index(1)
LAST_GLOBALS = 9500  # node_types.index(2)
N_GLOBALS = LAST_GLOBALS - LAST_SENSES  # 7500


def setup_inputs(seed: int = 0) -> dict:
    key = jax.random.key(seed)
    ks = jax.random.split(key, 12)
    x = jax.random.normal(ks[0], (N, D), dtype=jnp.float32)
    edge_index = jax.random.randint(ks[1], (2, E), 0, N, dtype=jnp.int32)
    edge_type = jax.random.randint(ks[2], (E,), 0, R, dtype=jnp.int32)
    # RGCNConv parameters (num_bases == num_relations => full-rank basis decomposition)
    basis = jax.random.normal(ks[3], (R, D, D), dtype=jnp.float32) * 0.05
    att = jax.random.normal(ks[4], (R, R), dtype=jnp.float32) * 0.3
    root = jax.random.normal(ks[5], (D, D), dtype=jnp.float32) * 0.05
    bias = jax.random.normal(ks[6], (D,), dtype=jnp.float32) * 0.01
    # linear2global / linear2sense
    Wg = jax.random.normal(ks[7], (D, N_GLOBALS), dtype=jnp.float32) * 0.05
    bg = jnp.zeros((N_GLOBALS,), dtype=jnp.float32)
    Ws = jax.random.normal(ks[8], (D, LAST_SENSES), dtype=jnp.float32) * 0.05
    bs = jnp.zeros((LAST_SENSES,), dtype=jnp.float32)
    return {"x": x, "basis": basis, "att": att, "root": root, "bias": bias,
            "Wg": Wg, "bg": bg, "Ws": Ws, "bs": bs,
            "edge_index": edge_index, "edge_type": edge_type}


def reference(x, basis, att, root, bias, Wg, bg, Ws, bs, edge_index, edge_type):
    # RGCNConv (basis decomposition, aggr='mean', root weight + bias)
    weight = jnp.einsum('rb,bio->rio', att, basis)          # [R, D, D]
    h = jnp.einsum('ni,rio->rno', x, weight)                # [R, N, D] per-relation transforms
    src = edge_index[0]
    dst = edge_index[1]
    # gather message for each edge: h[edge_type[e], src[e]]
    msgs = jnp.take(h.reshape(R * N, D), edge_type * N + src, axis=0)  # [E, D]
    agg = jax.ops.segment_sum(msgs, dst, num_segments=N)    # [N, D]
    deg = jax.ops.segment_sum(jnp.ones((E,), jnp.float32), dst, num_segments=N)
    agg = agg / jnp.maximum(deg, 1.0)[:, None]              # mean aggregation
    conv = agg + x @ root + bias
    h1 = jax.nn.relu(conv)
    v = h1[0]                                               # current node (index 0)
    logits_global = v @ Wg + bg
    logits_sense = v @ Ws + bs
    pred_global = jax.nn.log_softmax(logits_global, axis=0)
    pred_sense = jax.nn.log_softmax(logits_sense, axis=0)
    # batchinput_ls has a single (x, edge_index, edge_type) sample -> stack dim 0
    return (pred_global[None, :], pred_sense[None, :])

if __name__ == "__main__":
    import jax
    _d = setup_inputs()
    print(jax.jit(kernel)(*tuple(_d.values())))

</pallas_src>

<mosaic_0001>
#map = affine_map<(d0, d1) -> (0)>
#map1 = affine_map<(d0, d1) -> (0, 0)>
#map2 = affine_map<(d0, d1) -> (0, 0, 0)>
module attributes {stable_mosaic.version = 14 : i64} {
  func.func @_sc_body(%arg0: i32, %arg1: i32, %arg2: memref<640000xi32, #tpu.memory_space<hbm>>, %arg3: memref<320000xi32, #tpu.memory_space<hbm>>, %arg4: memref<10000x128xf32, #tpu.memory_space<hbm>>, %arg5: memref<2x6x128xf32, #tpu.memory_space<hbm>>, %arg6: memref<32x16xf32, #tpu.memory_space<hbm>>, %arg7: memref<10000xi32, #tpu.memory_space<vmem>>, %arg8: memref<10000xi32, #tpu.memory_space<vmem>>, %arg9: memref<10000xi32, #tpu.memory_space<vmem>>, %arg10: memref<10016xi32, #tpu.memory_space<vmem>>, %arg11: memref<10016xi32, #tpu.memory_space<vmem>>, %arg12: memref<1x16xi32, #tpu.memory_space<vmem>>, %arg13: memref<1x16xi32, #tpu.memory_space<vmem>>, %arg14: memref<16x128xf32, #tpu.memory_space<vmem>>, %arg15: memref<6x128xf32, #tpu.memory_space<vmem>>, %arg16: memref<16xf32, #tpu.memory_space<vmem>>, %arg17: memref<400xi32, #tpu.memory_space<vmem>>, %arg18: memref<6x128xf32, #tpu.memory_space<vmem_shared>>, %arg19: memref<!tpu.dma_semaphore, #tpu.memory_space<semaphore_mem>>, %arg20: memref<!tpu.dma_semaphore, #tpu.memory_space<semaphore_mem>>) attributes {dimension_semantics = [#tpu.dimension_semantics<core_parallel>, #tpu.dimension_semantics<subcore_parallel>], iteration_bounds = array<i64: 2, 16>, scalar_prefetch = 0 : i64, scratch_operands = 14 : i64, tpu.core_type = #tpu.core_type<sc_vector_subcore>, window_params = [{transform_indices = #map}, {transform_indices = #map}, {transform_indices = #map1}, {transform_indices = #map2}, {transform_indices = #map1}]} {
    %mul3A = arith.constant 2 : i32
    %mul3A_0 = arith.muli %arg1, %mul3A : i32
    %add3A = arith.addi %mul3A_0, %arg0 : i32
    %mul3A_1 = arith.constant 10000 : i32
    %mul3A_2 = arith.muli %add3A, %mul3A_1 : i32
    %add3A_3 = arith.constant 320000 : i32
    %add3A_4 = arith.addi %add3A_3, %mul3A_2 : i32
    %dma_start3A = tpu.memref_slice %arg2[%add3A_4] : memref<640000xi32, #tpu.memory_space<hbm>> -> memref<10000xi32, #tpu.memory_space<hbm>>
    %dma_start3A_5 = tpu.memref_slice %arg2[%add3A_4] : memref<640000xi32, #tpu.memory_space<hbm>> -> memref<10000xi32, #tpu.memory_space<hbm>>
    tpu.enqueue_dma source(%dma_start3A_5 : memref<10000xi32, #tpu.memory_space<hbm>>) target(%arg7 : memref<10000xi32, #tpu.memory_space<vmem>>) target_semaphore(%arg20 : memref<!tpu.dma_semaphore, #tpu.memory_space<semaphore_mem>>)
    %dma_start3A_6 = tpu.memref_slice %arg2[%mul3A_2] : memref<640000xi32, #tpu.memory_space<hbm>> -> memref<10000xi32, #tpu.memory_space<hbm>>
    %dma_start3A_7 = tpu.memref_slice %arg2[%mul3A_2] : memref<640000xi32, #tpu.memory_space<hbm>> -> memref<10000xi32, #tpu.memory_space<hbm>>
    tpu.enqueue_dma source(%dma_start3A_7 : memref<10000xi32, #tpu.memory_space<hbm>>) target(%arg8 : memref<10000xi32, #tpu.memory_space<vmem>>) target_semaphore(%arg20 : memref<!tpu.dma_semaphore, #tpu.memory_space<semaphore_mem>>)
    %dma_start3A_8 = tpu.memref_slice %arg3[%mul3A_2] : memref<320000xi32, #tpu.memory_space<hbm>> -> memref<10000xi32, #tpu.memory_space<hbm>>
    %dma_start3A_9 = tpu.memref_slice %arg3[%mul3A_2] : memref<320000xi32, #tpu.memory_space<hbm>> -> memref<10000xi32, #tpu.memory_space<hbm>>
    tpu.enqueue_dma source(%dma_start3A_9 : memref<10000xi32, #tpu.memory_space<hbm>>) target(%arg9 : memref<10000xi32, #tpu.memory_space<vmem>>) target_semaphore(%arg20 : memref<!tpu.dma_semaphore, #tpu.memory_space<semaphore_mem>>)
    %broadcast_in_dim3A = arith.constant 0.000000e+00 : f32
    %broadcast_in_dim3A_10 = vector.broadcast %broadcast_in_dim3A : f32 to vector<16xf32>
    %swap3A = arith.constant 0 : i32
    %swap3A_11 = arith.index_cast %swap3A : i32 to index
    %swap3A_12 = arith.constant 0 : index
    %swap3A_13 = tpu.vector_load %arg15[%swap3A_11, %swap3A_12] {strides = array<i32>} : memref<6x128xf32, #tpu.memory_space<vmem>>, vector<16xf32>,
    tpu.vector_store %arg15[%swap3A_11, %swap3A_12], %broadcast_in_dim3A_10 {strides = array<i32>} : memref<6x128xf32, #tpu.memory_space<vmem>>, vector<16xf32>,
    %swap3A_14 = arith.constant 0 : i32
    %swap3A_15 = arith.index_cast %swap3A_14 : i32 to index
    %swap3A_16 = arith.constant 16 : index
    %swap3A_17 = tpu.vector_load %arg15[%swap3A_15, %swap3A_16] {strides = array<i32>} : memref<6x128xf32, #tpu.memory_space<vmem>>, vector<16xf32>,
    tpu.vector_store %arg15[%swap3A_15, %swap3A_16], %broadcast_in_dim3A_10 {strides = array<i32>} : memref<6x128xf32, #tpu.memory_space<vmem>>, vector<16xf32>,
    %swap3A_18 = arith.constant 0 : i32
    %swap3A_19 = arith.index_cast %swap3A_18 : i32 to index
    %swap3A_20 = arith.constant 32 : index
    %swap3A_21 = tpu.vector_load %arg15[%swap3A_19, %swap3A_20] {strides = array<i32>} : memref<6x128xf32, #tpu.memory_space<vmem>>, vector<16xf32>,
    tpu.vector_store %arg15[%swap3A_19, %swap3A_20], %broadcast_in_dim3A_10 {strides = array<i32>} : memref<6x128xf32, #tpu.memory_space<vmem>>, vector<16xf32>,
    %swap3A_22 = arith.constant 0 : i32
    %swap3A_23 = arith.index_cast %swap3A_22 : i32 to index
    %swap3A_24 = arith.constant 48 : index
    %swap3A_25 = tpu.vector_load %arg15[%swap3A_23, %swap3A_24] {strides = array<i32>} : memref<6x128xf32, #tpu.memory_space<vmem>>, vector<16xf32>,
    tpu.vector_store %arg15[%swap3A_23, %swap3A_24], %broadcast_in_dim3A_10 {strides = array<i32>} : memref<6x128xf32, #tpu.memory_space<vmem>>, vector<16xf32>,
    %swap3A_26 = arith.constant 0 : i32
    %swap3A_27 = arith.index_cast %swap3A_26 : i32 to index
    %swap3A_28 = arith.constant 64 : index
    %swap3A_29 = tpu.vector_load %arg15[%swap3A_27, %swap3A_28] {strides = array<i32>} : memref<6x128xf32, #tpu.memory_space<vmem>>, vector<16xf32>,
    tpu.vector_store %arg15[%swap3A_27, %swap3A_28], %broadcast_in_dim3A_10 {strides = array<i32>} : memref<6x128xf32, #tpu.memory_space<vmem>>, vector<16xf32>,
    %swap3A_30 = arith.constant 0 : i32
    %swap3A_31 = arith.index_cast %swap3A_30 : i32 to index
    %swap3A_32 = arith.constant 80 : index
    %swap3A_33 = tpu.vector_load %arg15[%swap3A_31, %swap3A_32] {strides = array<i32>} : memref<6x128xf32, #tpu.memory_space<vmem>>, vector<16xf32>,
    tpu.vector_store %arg15[%swap3A_31, %swap3A_32], %broadcast_in_dim3A_10 {strides = array<i32>} : memref<6x128xf32, #tpu.memory_space<vmem>>, vector<16xf32>,
    %swap3A_34 = arith.constant 0 : i32
    %swap3A_35 = arith.index_cast %swap3A_34 : i32 to index
    %swap3A_36 = arith.constant 96 : index
    %swap3A_37 = tpu.vector_load %arg15[%swap3A_35, %swap3A_36] {strides = array<i32>} : memref<6x128xf32, #tpu.memory_space<vmem>>, vector<16xf32>,
    tpu.vector_store %arg15[%swap3A_35, %swap3A_36], %broadcast_in_dim3A_10 {strides = array<i32>} : memref<6x128xf32, #tpu.memory_space<vmem>>, vector<16xf32>,
    %swap3A_38 = arith.constant 0 : i32
    %swap3A_39 = arith.index_cast %swap3A_38 : i32 to index
    %swap3A_40 = arith.constant 112 : index
    %swap3A_41 = tpu.vector_load %arg15[%swap3A_39, %swap3A_40] {strides = array<i32>} : memref<6x128xf32, #tpu.memory_space<vmem>>, vector<16xf32>,
    tpu.vector_store %arg15[%swap3A_39, %swap3A_40], %broadcast_in_dim3A_10 {strides = array<i32>} : memref<6x128xf32, #tpu.memory_space<vmem>>, vector<16xf32>,
    %swap3A_42 = arith.constant 1 : i32
    %swap3A_43 = arith.index_cast %swap3A_42 : i32 to index
    %swap3A_44 = arith.constant 0 : index
    %swap3A_45 = tpu.vector_load %arg15[%swap3A_43, %swap3A_44] {strides = array<i32>} : memref<6x128xf32, #tpu.memory_space<vmem>>, vector<16xf32>,
    tpu.vector_store %arg15[%swap3A_43, %swap3A_44], %broadcast_in_dim3A_10 {strides = array<i32>} : memref<6x128xf32, #tpu.memory_space<vmem>>, vector<16xf32>,
    %swap3A_46 = arith.constant 1 : i32
    %swap3A_47 = arith.index_cast %swap3A_46 : i32 to index
    %swap3A_48 = arith.constant 16 : index
    %swap3A_49 = tpu.vector_load %arg15[%swap3A_47, %swap3A_48] {strides = array<i32>} : memref<6x128xf32, #tpu.memory_space<vmem>>, vector<16xf32>,
    tpu.vector_store %arg15[%swap3A_47, %swap3A_48], %broadcast_in_dim3A_10 {strides = array<i32>} : memref<6x128xf32, #tpu.memory_space<vmem>>, vector<16xf32>,
    %swap3A_50 = arith.constant 1 : i32
    %swap3A_51 = arith.index_cast %swap3A_50 : i32 to index
    %swap3A_52 = arith.constant 32 : index
    %swap3A_53 = tpu.vector_load %arg15[%swap3A_51, %swap3A_52] {strides = array<i32>} : memref<6x128xf32, #tpu.memory_space<vmem>>, vector<16xf32>,
    tpu.vector_store %arg15[%swap3A_51, %swap3A_52], %broadcast_in_dim3A_10 {strides = array<i32>} : memref<6x128xf32, #tpu.memory_space<vmem>>, vector<16xf32>,
    %swap3A_54 = arith.constant 1 : i32
    %swap3A_55 = arith.index_cast %swap3A_54 : i32 to index
    %swap3A_56 = arith.constant 48 : index
    %swap3A_57 = tpu.vector_load %arg15[%swap3A_55, %swap3A_56] {strides = array<i32>} : memref<6x128xf32, #tpu.memory_space<vmem>>, vector<16xf32>,
    tpu.vector_store %arg15[%swap3A_55, %swap3A_56], %broadcast_in_dim3A_10 {strides = array<i32>} : memref<6x128xf32, #tpu.memory_space<vmem>>, vector<16xf32>,
    %swap3A_58 = arith.constant 1 : i32
    %swap3A_59 = arith.index_cast %swap3A_58 : i32 to index
    %swap3A_60 = arith.constant 64 : index
    %swap3A_61 = tpu.vector_load %arg15[%swap3A_59, %swap3A_60] {strides = array<i32>} : memref<6x128xf32, #tpu.memory_space<vmem>>, vector<16xf32>,
    tpu.vector_store %arg15[%swap3A_59, %swap3A_60], %broadcast_in_dim3A_10 {strides = array<i32>} : memref<6x128xf32, #tpu.memory_space<vmem>>, vector<16xf32>,
    %swap3A_62 = arith.constant 1 : i32
    %swap3A_63 = arith.index_cast %swap3A_62 : i32 to index
    %swap3A_64 = arith.constant 80 : index
    %swap3A_65 = tpu.vector_load %arg15[%swap3A_63, %swap3A_64] {strides = array<i32>} : memref<6x128xf32, #tpu.memory_space<vmem>>, vector<16xf32>,
    tpu.vector_store %arg15[%swap3A_63, %swap3A_64], %broadcast_in_dim3A_10 {strides = array<i32>} : memref<6x128xf32, #tpu.memory_space<vmem>>, vector<16xf32>,
    %swap3A_66 = arith.constant 1 : i32
    %swap3A_67 = arith.index_cast %swap3A_66 : i32 to index
    %swap3A_68 = arith.constant 96 : index
    %swap3A_69 = tpu.vector_load %arg15[%swap3A_67, %swap3A_68] {strides = array<i32>} : memref<6x128xf32, #tpu.memory_space<vmem>>, vector<16xf32>,
    tpu.vector_store %arg15[%swap3A_67, %swap3A_68], %broadcast_in_dim3A_10 {strides = array<i32>} : memref<6x128xf32, #tpu.memory_space<vmem>>, vector<16xf32>,
    %swap3A_70 = arith.constant 1 : i32
    %swap3A_71 = arith.index_cast %swap3A_70 : i32 to index
    %swap3A_72 = arith.constant 112 : index
    %swap3A_73 = tpu.vector_load %arg15[%swap3A_71, %swap3A_72] {strides = array<i32>} : memref<6x128xf32, #tpu.memory_space<vmem>>, vector<16xf32>,
    tpu.vector_store %arg15[%swap3A_71, %swap3A_72], %broadcast_in_dim3A_10 {strides = array<i32>} : memref<6x128xf32, #tpu.memory_space<vmem>>, vector<16xf32>,
    %swap3A_74 = arith.constant 2 : i32
    %swap3A_75 = arith.index_cast %swap3A_74 : i32 to index
    %swap3A_76 = arith.constant 0 : index
    %swap3A_77 = tpu.vector_load %arg15[%swap3A_75, %swap3A_76] {strides = array<i32>} : memref<6x128xf32, #tpu.memory_space<vmem>>, vector<16xf32>,
    tpu.vector_store %arg15[%swap3A_75, %swap3A_76], %broadcast_in_dim3A_10 {strides = array<i32>} : memref<6x128xf32, #tpu.memory_space<vmem>>, vector<16xf32>,
    %swap3A_78 = arith.constant 2 : i32
    %swap3A_79 = arith.index_cast %swap3A_78 : i32 to index
    %swap3A_80 = arith.constant 16 : index
    %swap3A_81 = tpu.vector_load %arg15[%swap3A_79, %swap3A_80] {strides = array<i32>} : memref<6x128xf32, #tpu.memory_space<vmem>>, vector<16xf32>,
    tpu.vector_store %arg15[%swap3A_79, %swap3A_80], %broadcast_in_dim3A_10 {strides = array<i32>} : memref<6x128xf32, #tpu.memory_space<vmem>>, vector<16xf32>,
    %swap3A_82 = arith.constant 2 : i32
    %swap3A_83 = arith.index_cast %swap3A_82 : i32 to index
    %swap3A_84 = arith.constant 32 : index
    %swap3A_85 = tpu.vector_load %arg15[%swap3A_83, %swap3A_84] {strides = array<i32>} : memref<6x128xf32, #tpu.memory_space<vmem>>, vector<16xf32>,
    tpu.vector_store %arg15[%swap3A_83, %swap3A_84], %broadcast_in_dim3A_10 {strides = array<i32>} : memref<6x128xf32, #tpu.memory_space<vmem>>, vector<16xf32>,
    %swap3A_86 = arith.constant 2 : i32
    %swap3A_87 = arith.index_cast %swap3A_86 : i32 to index
    %swap3A_88 = arith.constant 48 : index
    %swap3A_89 = tpu.vector_load %arg15[%swap3A_87, %swap3A_88] {strides = array<i32>} : memref<6x128xf32, #tpu.memory_space<vmem>>, vector<16xf32>,
    tpu.vector_store %arg15[%swap3A_87, %swap3A_88], %broadcast_in_dim3A_10 {strides = array<i32>} : memref<6x128xf32, #tpu.memory_space<vmem>>, vector<16xf32>,
    %swap3A_90 = arith.constant 2 : i32
    %swap3A_91 = arith.index_cast %swap3A_90 : i32 to index
    %swap3A_92 = arith.constant 64 : index
    %swap3A_93 = tpu.vector_load %arg15[%swap3A_91, %swap3A_92] {strides = array<i32>} : memref<6x128xf32, #tpu.memory_space<vmem>>, vector<16xf32>,
    tpu.vector_store %arg15[%swap3A_91, %swap3A_92], %broadcast_in_dim3A_10 {strides = array<i32>} : memref<6x128xf32, #tpu.memory_space<vmem>>, vector<16xf32>,
    %swap3A_94 = arith.constant 2 : i32
    %swap3A_95 = arith.index_cast %swap3A_94 : i32 to index
    %swap3A_96 = arith.constant 80 : index
    %swap3A_97 = tpu.vector_load %arg15[%swap3A_95, %swap3A_96] {strides = array<i32>} : memref<6x128xf32, #tpu.memory_space<vmem>>, vector<16xf32>,
    tpu.vector_store %arg15[%swap3A_95, %swap3A_96], %broadcast_in_dim3A_10 {strides = array<i32>} : memref<6x128xf32, #tpu.memory_space<vmem>>, vector<16xf32>,
    %swap3A_98 = arith.constant 2 : i32
    %swap3A_99 = arith.index_cast %swap3A_98 : i32 to index
    %swap3A_100 = arith.constant 96 : index
    %swap3A_101 = tpu.vector_load %arg15[%swap3A_99, %swap3A_100] {strides = array<i32>} : memref<6x128xf32, #tpu.memory_space<vmem>>, vector<16xf32>,
    tpu.vector_store %arg15[%swap3A_99, %swap3A_100], %broadcast_in_dim3A_10 {strides = array<i32>} : memref<6x128xf32, #tpu.memory_space<vmem>>, vector<16xf32>,
    %swap3A_102 = arith.constant 2 : i32
    %swap3A_103 = arith.index_cast %swap3A_102 : i32 to index
    %swap3A_104 = arith.constant 112 : index
    %swap3A_105 = tpu.vector_load %arg15[%swap3A_103, %swap3A_104] {strides = array<i32>} : memref<6x128xf32, #tpu.memory_space<vmem>>, vector<16xf32>,
    tpu.vector_store %arg15[%swap3A_103, %swap3A_104], %broadcast_in_dim3A_10 {strides = array<i32>} : memref<6x128xf32, #tpu.memory_space<vmem>>, vector<16xf32>,
    %swap3A_106 = arith.constant 3 : i32
    %swap3A_107 = arith.index_cast %swap3A_106 : i32 to index
    %swap3A_108 = arith.constant 0 : index
    %swap3A_109 = tpu.vector_load %arg15[%swap3A_107, %swap3A_108] {strides = array<i32>} : memref<6x128xf32, #tpu.memory_space<vmem>>, vector<16xf32>,
    tpu.vector_store %arg15[%swap3A_107, %swap3A_108], %broadcast_in_dim3A_10 {strides = array<i32>} : memref<6x128xf32, #tpu.memory_space<vmem>>, vector<16xf32>,
    %swap3A_110 = arith.constant 3 : i32
    %swap3A_111 = arith.index_cast %swap3A_110 : i32 to index
    %swap3A_112 = arith.constant 16 : index
    %swap3A_113 = tpu.vector_load %arg15[%swap3A_111, %swap3A_112] {strides = array<i32>} : memref<6x128xf32, #tpu.memory_space<vmem>>, vector<16xf32>,
    tpu.vector_store %arg15[%swap3A_111, %swap3A_112], %broadcast_in_dim3A_10 {strides = array<i32>} : memref<6x128xf32, #tpu.memory_space<vmem>>, vector<16xf32>,
    %swap3A_114 = arith.constant 3 : i32
    %swap3A_115 = arith.index_cast %swap3A_114 : i32 to index
    %swap3A_116 = arith.constant 32 : index
    %swap3A_117 = tpu.vector_load %arg15[%swap3A_115, %swap3A_116] {strides = array<i32>} : memref<6x128xf32, #tpu.memory_space<vmem>>, vector<16xf32>,
    tpu.vector_store %arg15[%swap3A_115, %swap3A_116], %broadcast_in_dim3A_10 {strides = array<i32>} : memref<6x128xf32, #tpu.memory_space<vmem>>, vector<16xf32>,
    %swap3A_118 = arith.constant 3 : i32
    %swap3A_119 = arith.index_cast %swap3A_118 : i32 to index
    %swap3A_120 = arith.constant 48 : index
    %swap3A_121 = tpu.vector_load %arg15[%swap3A_119, %swap3A_120] {strides = array<i32>} : memref<6x128xf32, #tpu.memory_space<vmem>>, vector<16xf32>,
    tpu.vector_store %arg15[%swap3A_119, %swap3A_120], %broadcast_in_dim3A_10 {strides = array<i32>} : memref<6x128xf32, #tpu.memory_space<vmem>>, vector<16xf32>,
    %swap3A_122 = arith.constant 3 : i32
    %swap3A_123 = arith.index_cast %swap3A_122 : i32 to index
    %swap3A_124 = arith.constant 64 : index
    %swap3A_125 = tpu.vector_load %arg15[%swap3A_123, %swap3A_124] {strides = array<i32>} : memref<6x128xf32, #tpu.memory_space<vmem>>, vector<16xf32>,
    tpu.vector_store %arg15[%swap3A_123, %swap3A_124], %broadcast_in_dim3A_10 {strides = array<i32>} : memref<6x128xf32, #tpu.memory_space<vmem>>, vector<16xf32>,
    %swap3A_126 = arith.constant 3 : i32
    %swap3A_127 = arith.index_cast %swap3A_126 : i32 to index
    %swap3A_128 = arith.constant 80 : index
    %swap3A_129 = tpu.vector_load %arg15[%swap3A_127, %swap3A_128] {strides = array<i32>} : memref<6x128xf32, #tpu.memory_space<vmem>>, vector<16xf32>,
    tpu.vector_store %arg15[%swap3A_127, %swap3A_128], %broadcast_in_dim3A_10 {strides = array<i32>} : memref<6x128xf32, #tpu.memory_space<vmem>>, vector<16xf32>,
    %swap3A_130 = arith.constant 3 : i32
    %swap3A_131 = arith.index_cast %swap3A_130 : i32 to index
    %swap3A_132 = arith.constant 96 : index
    %swap3A_133 = tpu.vector_load %arg15[%swap3A_131, %swap3A_132] {strides = array<i32>} : memref<6x128xf32, #tpu.memory_space<vmem>>, vector<16xf32>,
    tpu.vector_store %arg15[%swap3A_131, %swap3A_132], %broadcast_in_dim3A_10 {strides = array<i32>} : memref<6x128xf32, #tpu.memory_space<vmem>>, vector<16xf32>,
    %swap3A_134 = arith.constant 3 : i32
    %swap3A_135 = arith.index_cast %swap3A_134 : i32 to index
    %swap3A_136 = arith.constant 112 : index
    %swap3A_137 = tpu.vector_load %arg15[%swap3A_135, %swap3A_136] {strides = array<i32>} : memref<6x128xf32, #tpu.memory_space<vmem>>, vector<16xf32>,
    tpu.vector_store %arg15[%swap3A_135, %swap3A_136], %broadcast_in_dim3A_10 {strides = array<i32>} : memref<6x128xf32, #tpu.memory_space<vmem>>, vector<16xf32>,
    %swap3A_138 = arith.constant 4 : i32
    %swap3A_139 = arith.index_cast %swap3A_138 : i32 to index
    %swap3A_140 = arith.constant 0 : index
    %swap3A_141 = tpu.vector_load %arg15[%swap3A_139, %swap3A_140] {strides = array<i32>} : memref<6x128xf32, #tpu.memory_space<vmem>>, vector<16xf32>,
    tpu.vector_store %arg15[%swap3A_139, %swap3A_140], %broadcast_in_dim3A_10 {strides = array<i32>} : memref<6x128xf32, #tpu.memory_space<vmem>>, vector<16xf32>,
    %swap3A_142 = arith.constant 4 : i32
    %swap3A_143 = arith.index_cast %swap3A_142 : i32 to index
    %swap3A_144 = arith.constant 16 : index
    %swap3A_145 = tpu.vector_load %arg15[%swap3A_143, %swap3A_144] {strides = array<i32>} : memref<6x128xf32, #tpu.memory_space<vmem>>, vector<16xf32>,
    tpu.vector_store %arg15[%swap3A_143, %swap3A_144], %broadcast_in_dim3A_10 {strides = array<i32>} : memref<6x128xf32, #tpu.memory_space<vmem>>, vector<16xf32>,
    %swap3A_146 = arith.constant 4 : i32
    %swap3A_147 = arith.index_cast %swap3A_146 : i32 to index
    %swap3A_148 = arith.constant 32 : index
    %swap3A_149 = tpu.vector_load %arg15[%swap3A_147, %swap3A_148] {strides = array<i32>} : memref<6x128xf32, #tpu.memory_space<vmem>>, vector<16xf32>,
    tpu.vector_store %arg15[%swap3A_147, %swap3A_148], %broadcast_in_dim3A_10 {strides = array<i32>} : memref<6x128xf32, #tpu.memory_space<vmem>>, vector<16xf32>,
    %swap3A_150 = arith.constant 4 : i32
    %swap3A_151 = arith.index_cast %swap3A_150 : i32 to index
    %swap3A_152 = arith.constant 48 : index
    %swap3A_153 = tpu.vector_load %arg15[%swap3A_151, %swap3A_152] {strides = array<i32>} : memref<6x128xf32, #tpu.memory_space<vmem>>, vector<16xf32>,
    tpu.vector_store %arg15[%swap3A_151, %swap3A_152], %broadcast_in_dim3A_10 {strides = array<i32>} : memref<6x128xf32, #tpu.memory_space<vmem>>, vector<16xf32>,
    %swap3A_154 = arith.constant 4 : i32
    %swap3A_155 = arith.index_cast %swap3A_154 : i32 to index
    %swap3A_156 = arith.constant 64 : index
    %swap3A_157 = tpu.vector_load %arg15[%swap3A_155, %swap3A_156] {strides = array<i32>} : memref<6x128xf32, #tpu.memory_space<vmem>>, vector<16xf32>,
    tpu.vector_store %arg15[%swap3A_155, %swap3A_156], %broadcast_in_dim3A_10 {strides = array<i32>} : memref<6x128xf32, #tpu.memory_space<vmem>>, vector<16xf32>,
    %swap3A_158 = arith.constant 4 : i32
    %swap3A_159 = arith.index_cast %swap3A_158 : i32 to index
    %swap3A_160 = arith.constant 80 : index
    %swap3A_161 = tpu.vector_load %arg15[%swap3A_159, %swap3A_160] {strides = array<i32>} : memref<6x128xf32, #tpu.memory_space<vmem>>, vector<16xf32>,
    tpu.vector_store %arg15[%swap3A_159, %swap3A_160], %broadcast_in_dim3A_10 {strides = array<i32>} : memref<6x128xf32, #tpu.memory_space<vmem>>, vector<16xf32>,
    %swap3A_162 = arith.constant 4 : i32
    %swap3A_163 = arith.index_cast %swap3A_162 : i32 to index
    %swap3A_164 = arith.constant 96 : index
    %swap3A_165 = tpu.vector_load %arg15[%swap3A_163, %swap3A_164] {strides = array<i32>} : memref<6x128xf32, #tpu.memory_space<vmem>>, vector<16xf32>,
    tpu.vector_store %arg15[%swap3A_163, %swap3A_164], %broadcast_in_dim3A_10 {strides = array<i32>} : memref<6x128xf32, #tpu.memory_space<vmem>>, vector<16xf32>,
    %swap3A_166 = arith.constant 4 : i32
    %swap3A_167 = arith.index_cast %swap3A_166 : i32 to index
    %swap3A_168 = arith.constant 112 : index
    %swap3A_169 = tpu.vector_load %arg15[%swap3A_167, %swap3A_168] {strides = array<i32>} : memref<6x128xf32, #tpu.memory_space<vmem>>, vector<16xf32>,
    tpu.vector_store %arg15[%swap3A_167, %swap3A_168], %broadcast_in_dim3A_10 {strides = array<i32>} : memref<6x128xf32, #tpu.memory_space<vmem>>, vector<16xf32>,
    %swap3A_170 = arith.constant 5 : i32
    %swap3A_171 = arith.index_cast %swap3A_170 : i32 to index
    %swap3A_172 = arith.constant 0 : index
    %swap3A_173 = tpu.vector_load %arg15[%swap3A_171, %swap3A_172] {strides = array<i32>} : memref<6x128xf32, #tpu.memory_space<vmem>>, vector<16xf32>,
    tpu.vector_store %arg15[%swap3A_171, %swap3A_172], %broadcast_in_dim3A_10 {strides = array<i32>} : memref<6x128xf32, #tpu.memory_space<vmem>>, vector<16xf32>,
    %swap3A_174 = arith.constant 5 : i32
    %swap3A_175 = arith.index_cast %swap3A_174 : i32 to index
    %swap3A_176 = arith.constant 16 : index
    %swap3A_177 = tpu.vector_load %arg15[%swap3A_175, %swap3A_176] {strides = array<i32>} : memref<6x128xf32, #tpu.memory_space<vmem>>, vector<16xf32>,
    tpu.vector_store %arg15[%swap3A_175, %swap3A_176], %broadcast_in_dim3A_10 {strides = array<i32>} : memref<6x128xf32, #tpu.memory_space<vmem>>, vector<16xf32>,
    %swap3A_178 = arith.constant 5 : i32
    %swap3A_179 = arith.index_cast %swap3A_178 : i32 to index
    %swap3A_180 = arith.constant 32 : index
    %swap3A_181 = tpu.vector_load %arg15[%swap3A_179, %swap3A_180] {strides = array<i32>} : memref<6x128xf32, #tpu.memory_space<vmem>>, vector<16xf32>,
    tpu.vector_store %arg15[%swap3A_179, %swap3A_180], %broadcast_in_dim3A_10 {strides = array<i32>} : memref<6x128xf32, #tpu.memory_space<vmem>>, vector<16xf32>,
    %swap3A_182 = arith.constant 5 : i32
    %swap3A_183 = arith.index_cast %swap3A_182 : i32 to index
    %swap3A_184 = arith.constant 48 : index
    %swap3A_185 = tpu.vector_load %arg15[%swap3A_183, %swap3A_184] {strides = array<i32>} : memref<6x128xf32, #tpu.memory_space<vmem>>, vector<16xf32>,
    tpu.vector_store %arg15[%swap3A_183, %swap3A_184], %broadcast_in_dim3A_10 {strides = array<i32>} : memref<6x128xf32, #tpu.memory_space<vmem>>, vector<16xf32>,
    %swap3A_186 = arith.constant 5 : i32
    %swap3A_187 = arith.index_cast %swap3A_186 : i32 to index
    %swap3A_188 = arith.constant 64 : index
    %swap3A_189 = tpu.vector_load %arg15[%swap3A_187, %swap3A_188] {strides = array<i32>} : memref<6x128xf32, #tpu.memory_space<vmem>>, vector<16xf32>,
    tpu.vector_store %arg15[%swap3A_187, %swap3A_188], %broadcast_in_dim3A_10 {strides = array<i32>} : memref<6x128xf32, #tpu.memory_space<vmem>>, vector<16xf32>,
    %swap3A_190 = arith.constant 5 : i32
    %swap3A_191 = arith.index_cast %swap3A_190 : i32 to index
    %swap3A_192 = arith.constant 80 : index
    %swap3A_193 = tpu.vector_load %arg15[%swap3A_191, %swap3A_192] {strides = array<i32>} : memref<6x128xf32, #tpu.memory_space<vmem>>, vector<16xf32>,
    tpu.vector_store %arg15[%swap3A_191, %swap3A_192], %broadcast_in_dim3A_10 {strides = array<i32>} : memref<6x128xf32, #tpu.memory_space<vmem>>, vector<16xf32>,
    %swap3A_194 = arith.constant 5 : i32
    %swap3A_195 = arith.index_cast %swap3A_194 : i32 to index
    %swap3A_196 = arith.constant 96 : index
    %swap3A_197 = tpu.vector_load %arg15[%swap3A_195, %swap3A_196] {strides = array<i32>} : memref<6x128xf32, #tpu.memory_space<vmem>>, vector<16xf32>,
    tpu.vector_store %arg15[%swap3A_195, %swap3A_196], %broadcast_in_dim3A_10 {strides = array<i32>} : memref<6x128xf32, #tpu.memory_space<vmem>>, vector<16xf32>,
    %swap3A_198 = arith.constant 5 : i32
    %swap3A_199 = arith.index_cast %swap3A_198 : i32 to index
    %swap3A_200 = arith.constant 112 : index
    %swap3A_201 = tpu.vector_load %arg15[%swap3A_199, %swap3A_200] {strides = array<i32>} : memref<6x128xf32, #tpu.memory_space<vmem>>, vector<16xf32>,
    tpu.vector_store %arg15[%swap3A_199, %swap3A_200], %broadcast_in_dim3A_10 {strides = array<i32>} : memref<6x128xf32, #tpu.memory_space<vmem>>, vector<16xf32>,
    %swap3A_202 = arith.constant 0 : index
    %swap3A_203 = tpu.vector_load %arg16[%swap3A_202] {strides = array<i32>} : memref<16xf32, #tpu.memory_space<vmem>>, vector<16xf32>,
    tpu.vector_store %arg16[%swap3A_202], %broadcast_in_dim3A_10 {strides = array<i32>} : memref<16xf32, #tpu.memory_space<vmem>>, vector<16xf32>,
    %eq3A = arith.constant 0 : i32
    %eq3A_204 = arith.cmpi eq, %arg1, %eq3A : i32
    %convert_element_type3A = arith.extui %eq3A_204 : i1 to i32
    %cond3A = arith.constant 0 : i32
    %cond3A_205 = arith.cmpi ne, %convert_element_type3A, %cond3A : i32
    scf.if %cond3A_205 {
      "tpu.region"() ({
        %run_scoped3A = tpu.sem_alloc : memref<!tpu.dma_semaphore, #tpu.memory_space<semaphore_mem>>
        tpu.enqueue_dma source(%arg15 : memref<6x128xf32, #tpu.memory_space<vmem>>) target(%arg18 : memref<6x128xf32, #tpu.memory_space<vmem_shared>>) target_semaphore(%run_scoped3A : memref<!tpu.dma_semaphore, #tpu.memory_space<semaphore_mem>>)
        tpu.wait_dma2 semaphore(%run_scoped3A : memref<!tpu.dma_semaphore, #tpu.memory_space<semaphore_mem>>) src(%arg15 : memref<6x128xf32, #tpu.memory_space<vmem>>) dst(%arg18 : memref<6x128xf32, #tpu.memory_space<vmem_shared>>)
        tpu.yield
      }) : () -> ()
    } else {
    }
    %barrier3A = arith.constant 0 : index
    tpu.barrier barrier_id(%barrier3A)
    %dma_wait3A = tpu.memref_slice %arg2[%add3A_4] : memref<640000xi32, #tpu.memory_space<hbm>> -> memref<10000xi32, #tpu.memory_space<hbm>>
    %dma_wait3A_206 = tpu.memref_slice %arg2[%add3A_4] : memref<640000xi32, #tpu.memory_space<hbm>> -> memref<10000xi32, #tpu.memory_space<hbm>>
    tpu.wait_dma2 semaphore(%arg20 : memref<!tpu.dma_semaphore, #tpu.memory_space<semaphore_mem>>) src(%dma_wait3A_206 : memref<10000xi32, #tpu.memory_space<hbm>>) dst(%arg7 : memref<10000xi32, #tpu.memory_space<vmem>>)
    %dma_wait3A_207 = tpu.memref_slice %arg2[%mul3A_2] : memref<640000xi32, #tpu.memory_space<hbm>> -> memref<10000xi32, #tpu.memory_space<hbm>>
    %dma_wait3A_208 = tpu.memref_slice %arg2[%mul3A_2] : memref<640000xi32, #tpu.memory_space<hbm>> -> memref<10000xi32, #tpu.memory_space<hbm>>
    tpu.wait_dma2 semaphore(%arg20 : memref<!tpu.dma_semaphore, #tpu.memory_space<semaphore_mem>>) src(%dma_wait3A_208 : memref<10000xi32, #tpu.memory_space<hbm>>) dst(%arg8 : memref<10000xi32, #tpu.memory_space<vmem>>)
    %dma_wait3A_209 = tpu.memref_slice %arg3[%mul3A_2] : memref<320000xi32, #tpu.memory_space<hbm>> -> memref<10000xi32, #tpu.memory_space<hbm>>
    %dma_wait3A_210 = tpu.memref_slice %arg3[%mul3A_2] : memref<320000xi32, #tpu.memory_space<hbm>> -> memref<10000xi32, #tpu.memory_space<hbm>>
    tpu.wait_dma2 semaphore(%arg20 : memref<!tpu.dma_semaphore, #tpu.memory_space<semaphore_mem>>) src(%dma_wait3A_210 : memref<10000xi32, #tpu.memory_space<hbm>>) dst(%arg9 : memref<10000xi32, #tpu.memory_space<vmem>>)
    %parallel_loop3A = arith.constant 0 : i32
    %parallel_loop3A_211 = arith.constant 25 : i32
    %parallel_loop3A_212 = arith.constant 1 : i32
    scf.for %parallel_loop3A_262 = %parallel_loop3A to %parallel_loop3A_211 step %parallel_loop3A_212  : i32 {
      %parallel_loop3A_263 = arith.constant 0 : i32
      %parallel_loop3A_264 = vector.broadcast %parallel_loop3A_263 : i32 to vector<16xi32>
      %parallel_loop3A_265 = arith.constant 25 : i32
      %parallel_loop3A_266 = arith.muli %parallel_loop3A_262, %parallel_loop3A_265 : i32
      %parallel_loop3A_267 = arith.constant 0 : i32
      %parallel_loop3A_268 = arith.addi %parallel_loop3A_266, %parallel_loop3A_267 : i32
      %parallel_loop3A_269 = arith.constant 16 : i32
      %parallel_loop3A_270 = arith.muli %parallel_loop3A_268, %parallel_loop3A_269 : i32
      %parallel_loop3A_271 = arith.index_cast %parallel_loop3A_270 : i32 to index
      %parallel_loop3A_272 = tpu.vector_load %arg7[%parallel_loop3A_271] {strides = array<i32>} : memref<10000xi32, #tpu.memory_space<vmem>>, vector<16xi32>,
      %parallel_loop3A_273 = arith.constant 0 : i32
      %parallel_loop3A_274 = vector.broadcast %parallel_loop3A_273 : i32 to vector<16xi32>
      %parallel_loop3A_275 = arith.cmpi eq, %parallel_loop3A_272, %parallel_loop3A_274 : vector<16xi32>
      %parallel_loop3A_276 = arith.constant 1 : i32
      %parallel_loop3A_277 = arith.constant 0 : i32
      %parallel_loop3A_278 = vector.broadcast %parallel_loop3A_276 : i32 to vector<16xi32>
      %parallel_loop3A_279 = vector.broadcast %parallel_loop3A_277 : i32 to vector<16xi32>
      %parallel_loop3A_280 = arith.select %parallel_loop3A_275, %parallel_loop3A_278, %parallel_loop3A_279 : vector<16xi1>, vector<16xi32>
      %parallel_loop3A_281 = arith.ori %parallel_loop3A_264, %parallel_loop3A_280 : vector<16xi32>
      %parallel_loop3A_282 = arith.constant 25 : i32
      %parallel_loop3A_283 = arith.muli %parallel_loop3A_262, %parallel_loop3A_282 : i32
      %parallel_loop3A_284 = arith.constant 1 : i32
      %parallel_loop3A_285 = arith.addi %parallel_loop3A_283, %parallel_loop3A_284 : i32
      %parallel_loop3A_286 = arith.constant 16 : i32
      %parallel_loop3A_287 = arith.muli %parallel_loop3A_285, %parallel_loop3A_286 : i32
      %parallel_loop3A_288 = arith.index_cast %parallel_loop3A_287 : i32 to index
      %parallel_loop3A_289 = tpu.vector_load %arg7[%parallel_loop3A_288] {strides = array<i32>} : memref<10000xi32, #tpu.memory_space<vmem>>, vector<16xi32>,
      %parallel_loop3A_290 = arith.constant 0 : i32
      %parallel_loop3A_291 = vector.broadcast %parallel_loop3A_290 : i32 to vector<16xi32>
      %parallel_loop3A_292 = arith.cmpi eq, %parallel_loop3A_289, %parallel_loop3A_291 : vector<16xi32>
      %parallel_loop3A_293 = arith.constant 1 : i32
      %parallel_loop3A_294 = arith.constant 0 : i32
      %parallel_loop3A_295 = vector.broadcast %parallel_loop3A_293 : i32 to vector<16xi32>
      %parallel_loop3A_296 = vector.broadcast %parallel_loop3A_294 : i32 to vector<16xi32>
      %parallel_loop3A_297 = arith.select %parallel_loop3A_292, %parallel_loop3A_295, %parallel_loop3A_296 : vector<16xi1>, vector<16xi32>
      %parallel_loop3A_298 = arith.ori %parallel_loop3A_281, %parallel_loop3A_297 : vector<16xi32>
      %parallel_loop3A_299 = arith.constant 25 : i32
      %parallel_loop3A_300 = arith.muli %parallel_loop3A_262, %parallel_loop3A_299 : i32
      %parallel_loop3A_301 = arith.constant 2 : i32
      %parallel_loop3A_302 = arith.addi %parallel_loop3A_300, %parallel_loop3A_301 : i32
      %parallel_loop3A_303 = arith.constant 16 : i32
      %parallel_loop3A_304 = arith.muli %parallel_loop3A_302, %parallel_loop3A_303 : i32
      %parallel_loop3A_305 = arith.index_cast %parallel_loop3A_304 : i32 to index
      %parallel_loop3A_306 = tpu.vector_load %arg7[%parallel_loop3A_305] {strides = array<i32>} : memref<10000xi32, #tpu.memory_space<vmem>>, vector<16xi32>,
      %parallel_loop3A_307 = arith.constant 0 : i32
      %parallel_loop3A_308 = vector.broadcast %parallel_loop3A_307 : i32 to vector<16xi32>
      %parallel_loop3A_309 = arith.cmpi eq, %parallel_loop3A_306, %parallel_loop3A_308 : vector<16xi32>
      %parallel_loop3A_310 = arith.constant 1 : i32
      %parallel_loop3A_311 = arith.constant 0 : i32
      %parallel_loop3A_312 = vector.broadcast %parallel_loop3A_310 : i32 to vector<16xi32>
      %parallel_loop3A_313 = vector.broadcast %parallel_loop3A_311 : i32 to vector<16xi32>
      %parallel_loop3A_314 = arith.select %parallel_loop3A_309, %parallel_loop3A_312, %parallel_loop3A_313 : vector<16xi1>, vector<16xi32>
      %parallel_loop3A_315 = arith.ori %parallel_loop3A_298, %parallel_loop3A_314 : vector<16xi32>
      %parallel_loop3A_316 = arith.constant 25 : i32
      %parallel_loop3A_317 = arith.muli %parallel_loop3A_262, %parallel_loop3A_316 : i32
      %parallel_loop3A_318 = arith.constant 3 : i32
      %parallel_loop3A_319 = arith.addi %parallel_loop3A_317, %parallel_loop3A_318 : i32
      %parallel_loop3A_320 = arith.constant 16 : i32
      %parallel_loop3A_321 = arith.muli %parallel_loop3A_319, %parallel_loop3A_320 : i32
      %parallel_loop3A_322 = arith.index_cast %parallel_loop3A_321 : i32 to index
      %parallel_loop3A_323 = tpu.vector_load %arg7[%parallel_loop3A_322] {strides = array<i32>} : memref<10000xi32, #tpu.memory_space<vmem>>, vector<16xi32>,
      %parallel_loop3A_324 = arith.constant 0 : i32
      %parallel_loop3A_325 = vector.broadcast %parallel_loop3A_324 : i32 to vector<16xi32>
      %parallel_loop3A_326 = arith.cmpi eq, %parallel_loop3A_323, %parallel_loop3A_325 : vector<16xi32>
      %parallel_loop3A_327 = arith.constant 1 : i32
      %parallel_loop3A_328 = arith.constant 0 : i32
      %parallel_loop3A_329 = vector.broadcast %parallel_loop3A_327 : i32 to vector<16xi32>
      %parallel_loop3A_330 = vector.broadcast %parallel_loop3A_328 : i32 to vector<16xi32>
      %parallel_loop3A_331 = arith.select %parallel_loop3A_326, %parallel_loop3A_329, %parallel_loop3A_330 : vector<16xi1>, vector<16xi32>
      %parallel_loop3A_332 = arith.ori %parallel_loop3A_315, %parallel_loop3A_331 : vector<16xi32>
      %parallel_loop3A_333 = arith.constant 25 : i32
      %parallel_loop3A_334 = arith.muli %parallel_loop3A_262, %parallel_loop3A_333 : i32
      %parallel_loop3A_335 = arith.constant 4 : i32
      %parallel_loop3A_336 = arith.addi %parallel_loop3A_334, %parallel_loop3A_335 : i32
      %parallel_loop3A_337 = arith.constant 16 : i32
      %parallel_loop3A_338 = arith.muli %parallel_loop3A_336, %parallel_loop3A_337 : i32
      %parallel_loop3A_339 = arith.index_cast %parallel_loop3A_338 : i32 to index
      %parallel_loop3A_340 = tpu.vector_load %arg7[%parallel_loop3A_339] {strides = array<i32>} : memref<10000xi32, #tpu.memory_space<vmem>>, vector<16xi32>,
      %parallel_loop3A_341 = arith.constant 0 : i32
      %parallel_loop3A_342 = vector.broadcast %parallel_loop3A_341 : i32 to vector<16xi32>
      %parallel_loop3A_343 = arith.cmpi eq, %parallel_loop3A_340, %parallel_loop3A_342 : vector<16xi32>
      %parallel_loop3A_344 = arith.constant 1 : i32
      %parallel_loop3A_345 = arith.constant 0 : i32
      %parallel_loop3A_346 = vector.broadcast %parallel_loop3A_344 : i32 to vector<16xi32>
      %parallel_loop3A_347 = vector.broadcast %parallel_loop3A_345 : i32 to vector<16xi32>
      %parallel_loop3A_348 = arith.select %parallel_loop3A_343, %parallel_loop3A_346, %parallel_loop3A_347 : vector<16xi1>, vector<16xi32>
      %parallel_loop3A_349 = arith.ori %parallel_loop3A_332, %parallel_loop3A_348 : vector<16xi32>
      %parallel_loop3A_350 = arith.constant 25 : i32
      %parallel_loop3A_351 = arith.muli %parallel_loop3A_262, %parallel_loop3A_350 : i32
      %parallel_loop3A_352 = arith.constant 5 : i32
      %parallel_loop3A_353 = arith.addi %parallel_loop3A_351, %parallel_loop3A_352 : i32
      %parallel_loop3A_354 = arith.constant 16 : i32
      %parallel_loop3A_355 = arith.muli %parallel_loop3A_353, %parallel_loop3A_354 : i32
      %parallel_loop3A_356 = arith.index_cast %parallel_loop3A_355 : i32 to index
      %parallel_loop3A_357 = tpu.vector_load %arg7[%parallel_loop3A_356] {strides = array<i32>} : memref<10000xi32, #tpu.memory_space<vmem>>, vector<16xi32>,
      %parallel_loop3A_358 = arith.constant 0 : i32
      %parallel_loop3A_359 = vector.broadcast %parallel_loop3A_358 : i32 to vector<16xi32>
      %parallel_loop3A_360 = arith.cmpi eq, %parallel_loop3A_357, %parallel_loop3A_359 : vector<16xi32>
      %parallel_loop3A_361 = arith.constant 1 : i32
      %parallel_loop3A_362 = arith.constant 0 : i32
      %parallel_loop3A_363 = vector.broadcast %parallel_loop3A_361 : i32 to vector<16xi32>
      %parallel_loop3A_364 = vector.broadcast %parallel_loop3A_362 : i32 to vector<16xi32>
      %parallel_loop3A_365 = arith.select %parallel_loop3A_360, %parallel_loop3A_363, %parallel_loop3A_364 : vector<16xi1>, vector<16xi32>
      %parallel_loop3A_366 = arith.ori %parallel_loop3A_349, %parallel_loop3A_365 : vector<16xi32>
      %parallel_loop3A_367 = arith.constant 25 : i32
      %parallel_loop3A_368 = arith.muli %parallel_loop3A_262, %parallel_loop3A_367 : i32
      %parallel_loop3A_369 = arith.constant 6 : i32
      %parallel_loop3A_370 = arith.addi %parallel_loop3A_368, %parallel_loop3A_369 : i32
      %parallel_loop3A_371 = arith.constant 16 : i32
      %parallel_loop3A_372 = arith.muli %parallel_loop3A_370, %parallel_loop3A_371 : i32
      %parallel_loop3A_373 = arith.index_cast %parallel_loop3A_372 : i32 to index
      %parallel_loop3A_374 = tpu.vector_load %arg7[%parallel_loop3A_373] {strides = array<i32>} : memref<10000xi32, #tpu.memory_space<vmem>>, vector<16xi32>,
      %parallel_loop3A_375 = arith.constant 0 : i32
      %parallel_loop3A_376 = vector.broadcast %parallel_loop3A_375 : i32 to vector<16xi32>
      %parallel_loop3A_377 = arith.cmpi eq, %parallel_loop3A_374, %parallel_loop3A_376 : vector<16xi32>
      %parallel_loop3A_378 = arith.constant 1 : i32
      %parallel_loop3A_379 = arith.constant 0 : i32
      %parallel_loop3A_380 = vector.broadcast %parallel_loop3A_378 : i32 to vector<16xi32>
      %parallel_loop3A_381 = vector.broadcast %parallel_loop3A_379 : i32 to vector<16xi32>
      %parallel_loop3A_382 = arith.select %parallel_loop3A_377, %parallel_loop3A_380, %parallel_loop3A_381 : vector<16xi1>, vector<16xi32>
      %parallel_loop3A_383 = arith.ori %parallel_loop3A_366, %parallel_loop3A_382 : vector<16xi32>
      %parallel_loop3A_384 = arith.constant 25 : i32
      %parallel_loop3A_385 = arith.muli %parallel_loop3A_262, %parallel_loop3A_384 : i32
      %parallel_loop3A_386 = arith.constant 7 : i32
      %parallel_loop3A_387 = arith.addi %parallel_loop3A_385, %parallel_loop3A_386 : i32
      %parallel_loop3A_388 = arith.constant 16 : i32
      %parallel_loop3A_389 = arith.muli %parallel_loop3A_387, %parallel_loop3A_388 : i32
      %parallel_loop3A_390 = arith.index_cast %parallel_loop3A_389 : i32 to index
      %parallel_loop3A_391 = tpu.vector_load %arg7[%parallel_loop3A_390] {strides = array<i32>} : memref<10000xi32, #tpu.memory_space<vmem>>, vector<16xi32>,
      %parallel_loop3A_392 = arith.constant 0 : i32
      %parallel_loop3A_393 = vector.broadcast %parallel_loop3A_392 : i32 to vector<16xi32>
      %parallel_loop3A_394 = arith.cmpi eq, %parallel_loop3A_391, %parallel_loop3A_393 : vector<16xi32>
      %parallel_loop3A_395 = arith.constant 1 : i32
      %parallel_loop3A_396 = arith.constant 0 : i32
      %parallel_loop3A_397 = vector.broadcast %parallel_loop3A_395 : i32 to vector<16xi32>
      %parallel_loop3A_398 = vector.broadcast %parallel_loop3A_396 : i32 to vector<16xi32>
      %parallel_loop3A_399 = arith.select %parallel_loop3A_394, %parallel_loop3A_397, %parallel_loop3A_398 : vector<16xi1>, vector<16xi32>
      %parallel_loop3A_400 = arith.ori %parallel_loop3A_383, %parallel_loop3A_399 : vector<16xi32>
      %parallel_loop3A_401 = arith.constant 25 : i32
      %parallel_loop3A_402 = arith.muli %parallel_loop3A_262, %parallel_loop3A_401 : i32
      %parallel_loop3A_403 = arith.constant 8 : i32
      %parallel_loop3A_404 = arith.addi %parallel_loop3A_402, %parallel_loop3A_403 : i32
      %parallel_loop3A_405 = arith.constant 16 : i32
      %parallel_loop3A_406 = arith.muli %parallel_loop3A_404, %parallel_loop3A_405 : i32
      %parallel_loop3A_407 = arith.index_cast %parallel_loop3A_406 : i32 to index
      %parallel_loop3A_408 = tpu.vector_load %arg7[%parallel_loop3A_407] {strides = array<i32>} : memref<10000xi32, #tpu.memory_space<vmem>>, vector<16xi32>,
      %parallel_loop3A_409 = arith.constant 0 : i32
      %parallel_loop3A_410 = vector.broadcast %parallel_loop3A_409 : i32 to vector<16xi32>
      %parallel_loop3A_411 = arith.cmpi eq, %parallel_loop3A_408, %parallel_loop3A_410 : vector<16xi32>
      %parallel_loop3A_412 = arith.constant 1 : i32
      %parallel_loop3A_413 = arith.constant 0 : i32
      %parallel_loop3A_414 = vector.broadcast %parallel_loop3A_412 : i32 to vector<16xi32>
      %parallel_loop3A_415 = vector.broadcast %parallel_loop3A_413 : i32 to vector<16xi32>
      %parallel_loop3A_416 = arith.select %parallel_loop3A_411, %parallel_loop3A_414, %parallel_loop3A_415 : vector<16xi1>, vector<16xi32>
      %parallel_loop3A_417 = arith.ori %parallel_loop3A_400, %parallel_loop3A_416 : vector<16xi32>
      %parallel_loop3A_418 = arith.constant 25 : i32
      %parallel_loop3A_419 = arith.muli %parallel_loop3A_262, %parallel_loop3A_418 : i32
      %parallel_loop3A_420 = arith.constant 9 : i32
      %parallel_loop3A_421 = arith.addi %parallel_loop3A_419, %parallel_loop3A_420 : i32
      %parallel_loop3A_422 = arith.constant 16 : i32
      %parallel_loop3A_423 = arith.muli %parallel_loop3A_421, %parallel_loop3A_422 : i32
      %parallel_loop3A_424 = arith.index_cast %parallel_loop3A_423 : i32 to index
      %parallel_loop3A_425 = tpu.vector_load %arg7[%parallel_loop3A_424] {strides = array<i32>} : memref<10000xi32, #tpu.memory_space<vmem>>, vector<16xi32>,
      %parallel_loop3A_426 = arith.constant 0 : i32
      %parallel_loop3A_427 = vector.broadcast %parallel_loop3A_426 : i32 to vector<16xi32>
      %parallel_loop3A_428 = arith.cmpi eq, %parallel_loop3A_425, %parallel_loop3A_427 : vector<16xi32>
      %parallel_loop3A_429 = arith.constant 1 : i32
      %parallel_loop3A_430 = arith.constant 0 : i32
      %parallel_loop3A_431 = vector.broadcast %parallel_loop3A_429 : i32 to vector<16xi32>
      %parallel_loop3A_432 = vector.broadcast %parallel_loop3A_430 : i32 to vector<16xi32>
      %parallel_loop3A_433 = arith.select %parallel_loop3A_428, %parallel_loop3A_431, %parallel_loop3A_432 : vector<16xi1>, vector<16xi32>
      %parallel_loop3A_434 = arith.ori %parallel_loop3A_417, %parallel_loop3A_433 : vector<16xi32>
      %parallel_loop3A_435 = arith.constant 25 : i32
      %parallel_loop3A_436 = arith.muli %parallel_loop3A_262, %parallel_loop3A_435 : i32
      %parallel_loop3A_437 = arith.constant 10 : i32
      %parallel_loop3A_438 = arith.addi %parallel_loop3A_436, %parallel_loop3A_437 : i32
      %parallel_loop3A_439 = arith.constant 16 : i32
      %parallel_loop3A_440 = arith.muli %parallel_loop3A_438, %parallel_loop3A_439 : i32
      %parallel_loop3A_441 = arith.index_cast %parallel_loop3A_440 : i32 to index
      %parallel_loop3A_442 = tpu.vector_load %arg7[%parallel_loop3A_441] {strides = array<i32>} : memref<10000xi32, #tpu.memory_space<vmem>>, vector<16xi32>,
      %parallel_loop3A_443 = arith.constant 0 : i32
      %parallel_loop3A_444 = vector.broadcast %parallel_loop3A_443 : i32 to vector<16xi32>
      %parallel_loop3A_445 = arith.cmpi eq, %parallel_loop3A_442, %parallel_loop3A_444 : vector<16xi32>
      %parallel_loop3A_446 = arith.constant 1 : i32
      %parallel_loop3A_447 = arith.constant 0 : i32
      %parallel_loop3A_448 = vector.broadcast %parallel_loop3A_446 : i32 to vector<16xi32>
      %parallel_loop3A_449 = vector.broadcast %parallel_loop3A_447 : i32 to vector<16xi32>
      %parallel_loop3A_450 = arith.select %parallel_loop3A_445, %parallel_loop3A_448, %parallel_loop3A_449 : vector<16xi1>, vector<16xi32>
      %parallel_loop3A_451 = arith.ori %parallel_loop3A_434, %parallel_loop3A_450 : vector<16xi32>
      %parallel_loop3A_452 = arith.constant 25 : i32
      %parallel_loop3A_453 = arith.muli %parallel_loop3A_262, %parallel_loop3A_452 : i32
      %parallel_loop3A_454 = arith.constant 11 : i32
      %parallel_loop3A_455 = arith.addi %parallel_loop3A_453, %parallel_loop3A_454 : i32
      %parallel_loop3A_456 = arith.constant 16 : i32
      %parallel_loop3A_457 = arith.muli %parallel_loop3A_455, %parallel_loop3A_456 : i32
      %parallel_loop3A_458 = arith.index_cast %parallel_loop3A_457 : i32 to index
      %parallel_loop3A_459 = tpu.vector_load %arg7[%parallel_loop3A_458] {strides = array<i32>} : memref<10000xi32, #tpu.memory_space<vmem>>, vector<16xi32>,
      %parallel_loop3A_460 = arith.constant 0 : i32
      %parallel_loop3A_461 = vector.broadcast %parallel_loop3A_460 : i32 to vector<16xi32>
      %parallel_loop3A_462 = arith.cmpi eq, %parallel_loop3A_459, %parallel_loop3A_461 : vector<16xi32>
      %parallel_loop3A_463 = arith.constant 1 : i32
      %parallel_loop3A_464 = arith.constant 0 : i32
      %parallel_loop3A_465 = vector.broadcast %parallel_loop3A_463 : i32 to vector<16xi32>
      %parallel_loop3A_466 = vector.broadcast %parallel_loop3A_464 : i32 to vector<16xi32>
      %parallel_loop3A_467 = arith.select %parallel_loop3A_462, %parallel_loop3A_465, %parallel_loop3A_466 : vector<16xi1>, vector<16xi32>
      %parallel_loop3A_468 = arith.ori %parallel_loop3A_451, %parallel_loop3A_467 : vector<16xi32>
      %parallel_loop3A_469 = arith.constant 25 : i32
      %parallel_loop3A_470 = arith.muli %parallel_loop3A_262, %parallel_loop3A_469 : i32
      %parallel_loop3A_471 = arith.constant 12 : i32
      %parallel_loop3A_472 = arith.addi %parallel_loop3A_470, %parallel_loop3A_471 : i32
      %parallel_loop3A_473 = arith.constant 16 : i32
      %parallel_loop3A_474 = arith.muli %parallel_loop3A_472, %parallel_loop3A_473 : i32
      %parallel_loop3A_475 = arith.index_cast %parallel_loop3A_474 : i32 to index
      %parallel_loop3A_476 = tpu.vector_load %arg7[%parallel_loop3A_475] {strides = array<i32>} : memref<10000xi32, #tpu.memory_space<vmem>>, vector<16xi32>,
      %parallel_loop3A_477 = arith.constant 0 : i32
      %parallel_loop3A_478 = vector.broadcast %parallel_loop3A_477 : i32 to vector<16xi32>
      %parallel_loop3A_479 = arith.cmpi eq, %parallel_loop3A_476, %parallel_loop3A_478 : vector<16xi32>
      %parallel_loop3A_480 = arith.constant 1 : i32
      %parallel_loop3A_481 = arith.constant 0 : i32
      %parallel_loop3A_482 = vector.broadcast %parallel_loop3A_480 : i32 to vector<16xi32>
      %parallel_loop3A_483 = vector.broadcast %parallel_loop3A_481 : i32 to vector<16xi32>
      %parallel_loop3A_484 = arith.select %parallel_loop3A_479, %parallel_loop3A_482, %parallel_loop3A_483 : vector<16xi1>, vector<16xi32>
      %parallel_loop3A_485 = arith.ori %parallel_loop3A_468, %parallel_loop3A_484 : vector<16xi32>
      %parallel_loop3A_486 = arith.constant 25 : i32
      %parallel_loop3A_487 = arith.muli %parallel_loop3A_262, %parallel_loop3A_486 : i32
      %parallel_loop3A_488 = arith.constant 13 : i32
      %parallel_loop3A_489 = arith.addi %parallel_loop3A_487, %parallel_loop3A_488 : i32
      %parallel_loop3A_490 = arith.constant 16 : i32
      %parallel_loop3A_491 = arith.muli %parallel_loop3A_489, %parallel_loop3A_490 : i32
      %parallel_loop3A_492 = arith.index_cast %parallel_loop3A_491 : i32 to index
      %parallel_loop3A_493 = tpu.vector_load %arg7[%parallel_loop3A_492] {strides = array<i32>} : memref<10000xi32, #tpu.memory_space<vmem>>, vector<16xi32>,
      %parallel_loop3A_494 = arith.constant 0 : i32
      %parallel_loop3A_495 = vector.broadcast %parallel_loop3A_494 : i32 to vector<16xi32>
      %parallel_loop3A_496 = arith.cmpi eq, %parallel_loop3A_493, %parallel_loop3A_495 : vector<16xi32>
      %parallel_loop3A_497 = arith.constant 1 : i32
      %parallel_loop3A_498 = arith.constant 0 : i32
      %parallel_loop3A_499 = vector.broadcast %parallel_loop3A_497 : i32 to vector<16xi32>
      %parallel_loop3A_500 = vector.broadcast %parallel_loop3A_498 : i32 to vector<16xi32>
      %parallel_loop3A_501 = arith.select %parallel_loop3A_496, %parallel_loop3A_499, %parallel_loop3A_500 : vector<16xi1>, vector<16xi32>
      %parallel_loop3A_502 = arith.ori %parallel_loop3A_485, %parallel_loop3A_501 : vector<16xi32>
      %parallel_loop3A_503 = arith.constant 25 : i32
      %parallel_loop3A_504 = arith.muli %parallel_loop3A_262, %parallel_loop3A_503 : i32
      %parallel_loop3A_505 = arith.constant 14 : i32
      %parallel_loop3A_506 = arith.addi %parallel_loop3A_504, %parallel_loop3A_505 : i32
      %parallel_loop3A_507 = arith.constant 16 : i32
      %parallel_loop3A_508 = arith.muli %parallel_loop3A_506, %parallel_loop3A_507 : i32
      %parallel_loop3A_509 = arith.index_cast %parallel_loop3A_508 : i32 to index
      %parallel_loop3A_510 = tpu.vector_load %arg7[%parallel_loop3A_509] {strides = array<i32>} : memref<10000xi32, #tpu.memory_space<vmem>>, vector<16xi32>,
      %parallel_loop3A_511 = arith.constant 0 : i32
      %parallel_loop3A_512 = vector.broadcast %parallel_loop3A_511 : i32 to vector<16xi32>
      %parallel_loop3A_513 = arith.cmpi eq, %parallel_loop3A_510, %parallel_loop3A_512 : vector<16xi32>
      %parallel_loop3A_514 = arith.constant 1 : i32
      %parallel_loop3A_515 = arith.constant 0 : i32
      %parallel_loop3A_516 = vector.broadcast %parallel_loop3A_514 : i32 to vector<16xi32>
      %parallel_loop3A_517 = vector.broadcast %parallel_loop3A_515 : i32 to vector<16xi32>
      %parallel_loop3A_518 = arith.select %parallel_loop3A_513, %parallel_loop3A_516, %parallel_loop3A_517 : vector<16xi1>, vector<16xi32>
      %parallel_loop3A_519 = arith.ori %parallel_loop3A_502, %parallel_loop3A_518 : vector<16xi32>
      %parallel_loop3A_520 = arith.constant 25 : i32
      %parallel_loop3A_521 = arith.muli %parallel_loop3A_262, %parallel_loop3A_520 : i32
      %parallel_loop3A_522 = arith.constant 15 : i32
      %parallel_loop3A_523 = arith.addi %parallel_loop3A_521, %parallel_loop3A_522 : i32
      %parallel_loop3A_524 = arith.constant 16 : i32
      %parallel_loop3A_525 = arith.muli %parallel_loop3A_523, %parallel_loop3A_524 : i32
      %parallel_loop3A_526 = arith.index_cast %parallel_loop3A_525 : i32 to index
      %parallel_loop3A_527 = tpu.vector_load %arg7[%parallel_loop3A_526] {strides = array<i32>} : memref<10000xi32, #tpu.memory_space<vmem>>, vector<16xi32>,
      %parallel_loop3A_528 = arith.constant 0 : i32
      %parallel_loop3A_529 = vector.broadcast %parallel_loop3A_528 : i32 to vector<16xi32>
      %parallel_loop3A_530 = arith.cmpi eq, %parallel_loop3A_527, %parallel_loop3A_529 : vector<16xi32>
      %parallel_loop3A_531 = arith.constant 1 : i32
      %parallel_loop3A_532 = arith.constant 0 : i32
      %parallel_loop3A_533 = vector.broadcast %parallel_loop3A_531 : i32 to vector<16xi32>
      %parallel_loop3A_534 = vector.broadcast %parallel_loop3A_532 : i32 to vector<16xi32>
      %parallel_loop3A_535 = arith.select %parallel_loop3A_530, %parallel_loop3A_533, %parallel_loop3A_534 : vector<16xi1>, vector<16xi32>
      %parallel_loop3A_536 = arith.ori %parallel_loop3A_519, %parallel_loop3A_535 : vector<16xi32>
      %parallel_loop3A_537 = arith.constant 25 : i32
      %parallel_loop3A_538 = arith.muli %parallel_loop3A_262, %parallel_loop3A_537 : i32
      %parallel_loop3A_539 = arith.constant 16 : i32
      %parallel_loop3A_540 = arith.addi %parallel_loop3A_538, %parallel_loop3A_539 : i32
      %parallel_loop3A_541 = arith.constant 16 : i32
      %parallel_loop3A_542 = arith.muli %parallel_loop3A_540, %parallel_loop3A_541 : i32
      %parallel_loop3A_543 = arith.index_cast %parallel_loop3A_542 : i32 to index
      %parallel_loop3A_544 = tpu.vector_load %arg7[%parallel_loop3A_543] {strides = array<i32>} : memref<10000xi32, #tpu.memory_space<vmem>>, vector<16xi32>,
      %parallel_loop3A_545 = arith.constant 0 : i32
      %parallel_loop3A_546 = vector.broadcast %parallel_loop3A_545 : i32 to vector<16xi32>
      %parallel_loop3A_547 = arith.cmpi eq, %parallel_loop3A_544, %parallel_loop3A_546 : vector<16xi32>
      %parallel_loop3A_548 = arith.constant 1 : i32
      %parallel_loop3A_549 = arith.constant 0 : i32
      %parallel_loop3A_550 = vector.broadcast %parallel_loop3A_548 : i32 to vector<16xi32>
      %parallel_loop3A_551 = vector.broadcast %parallel_loop3A_549 : i32 to vector<16xi32>
      %parallel_loop3A_552 = arith.select %parallel_loop3A_547, %parallel_loop3A_550, %parallel_loop3A_551 : vector<16xi1>, vector<16xi32>
      %parallel_loop3A_553 = arith.ori %parallel_loop3A_536, %parallel_loop3A_552 : vector<16xi32>
      %parallel_loop3A_554 = arith.constant 25 : i32
      %parallel_loop3A_555 = arith.muli %parallel_loop3A_262, %parallel_loop3A_554 : i32
      %parallel_loop3A_556 = arith.constant 17 : i32
      %parallel_loop3A_557 = arith.addi %parallel_loop3A_555, %parallel_loop3A_556 : i32
      %parallel_loop3A_558 = arith.constant 16 : i32
      %parallel_loop3A_559 = arith.muli %parallel_loop3A_557, %parallel_loop3A_558 : i32
      %parallel_loop3A_560 = arith.index_cast %parallel_loop3A_559 : i32 to index
      %parallel_loop3A_561 = tpu.vector_load %arg7[%parallel_loop3A_560] {strides = array<i32>} : memref<10000xi32, #tpu.memory_space<vmem>>, vector<16xi32>,
      %parallel_loop3A_562 = arith.constant 0 : i32
      %parallel_loop3A_563 = vector.broadcast %parallel_loop3A_562 : i32 to vector<16xi32>
      %parallel_loop3A_564 = arith.cmpi eq, %parallel_loop3A_561, %parallel_loop3A_563 : vector<16xi32>
      %parallel_loop3A_565 = arith.constant 1 : i32
      %parallel_loop3A_566 = arith.constant 0 : i32
      %parallel_loop3A_567 = vector.broadcast %parallel_loop3A_565 : i32 to vector<16xi32>
      %parallel_loop3A_568 = vector.broadcast %parallel_loop3A_566 : i32 to vector<16xi32>
      %parallel_loop3A_569 = arith.select %parallel_loop3A_564, %parallel_loop3A_567, %parallel_loop3A_568 : vector<16xi1>, vector<16xi32>
      %parallel_loop3A_570 = arith.ori %parallel_loop3A_553, %parallel_loop3A_569 : vector<16xi32>
      %parallel_loop3A_571 = arith.constant 25 : i32
      %parallel_loop3A_572 = arith.muli %parallel_loop3A_262, %parallel_loop3A_571 : i32
      %parallel_loop3A_573 = arith.constant 18 : i32
      %parallel_loop3A_574 = arith.addi %parallel_loop3A_572, %parallel_loop3A_573 : i32
      %parallel_loop3A_575 = arith.constant 16 : i32
      %parallel_loop3A_576 = arith.muli %parallel_loop3A_574, %parallel_loop3A_575 : i32
      %parallel_loop3A_577 = arith.index_cast %parallel_loop3A_576 : i32 to index
      %parallel_loop3A_578 = tpu.vector_load %arg7[%parallel_loop3A_577] {strides = array<i32>} : memref<10000xi32, #tpu.memory_space<vmem>>, vector<16xi32>,
      %parallel_loop3A_579 = arith.constant 0 : i32
      %parallel_loop3A_580 = vector.broadcast %parallel_loop3A_579 : i32 to vector<16xi32>
      %parallel_loop3A_581 = arith.cmpi eq, %parallel_loop3A_578, %parallel_loop3A_580 : vector<16xi32>
      %parallel_loop3A_582 = arith.constant 1 : i32
      %parallel_loop3A_583 = arith.constant 0 : i32
      %parallel_loop3A_584 = vector.broadcast %parallel_loop3A_582 : i32 to vector<16xi32>
      %parallel_loop3A_585 = vector.broadcast %parallel_loop3A_583 : i32 to vector<16xi32>
      %parallel_loop3A_586 = arith.select %parallel_loop3A_581, %parallel_loop3A_584, %parallel_loop3A_585 : vector<16xi1>, vector<16xi32>
      %parallel_loop3A_587 = arith.ori %parallel_loop3A_570, %parallel_loop3A_586 : vector<16xi32>
      %parallel_loop3A_588 = arith.constant 25 : i32
      %parallel_loop3A_589 = arith.muli %parallel_loop3A_262, %parallel_loop3A_588 : i32
      %parallel_loop3A_590 = arith.constant 19 : i32
      %parallel_loop3A_591 = arith.addi %parallel_loop3A_589, %parallel_loop3A_590 : i32
      %parallel_loop3A_592 = arith.constant 16 : i32
      %parallel_loop3A_593 = arith.muli %parallel_loop3A_591, %parallel_loop3A_592 : i32
      %parallel_loop3A_594 = arith.index_cast %parallel_loop3A_593 : i32 to index
      %parallel_loop3A_595 = tpu.vector_load %arg7[%parallel_loop3A_594] {strides = array<i32>} : memref<10000xi32, #tpu.memory_space<vmem>>, vector<16xi32>,
      %parallel_loop3A_596 = arith.constant 0 : i32
      %parallel_loop3A_597 = vector.broadcast %parallel_loop3A_596 : i32 to vector<16xi32>
      %parallel_loop3A_598 = arith.cmpi eq, %parallel_loop3A_595, %parallel_loop3A_597 : vector<16xi32>
      %parallel_loop3A_599 = arith.constant 1 : i32
      %parallel_loop3A_600 = arith.constant 0 : i32
      %parallel_loop3A_601 = vector.broadcast %parallel_loop3A_599 : i32 to vector<16xi32>
      %parallel_loop3A_602 = vector.broadcast %parallel_loop3A_600 : i32 to vector<16xi32>
      %parallel_loop3A_603 = arith.select %parallel_loop3A_598, %parallel_loop3A_601, %parallel_loop3A_602 : vector<16xi1>, vector<16xi32>
      %parallel_loop3A_604 = arith.ori %parallel_loop3A_587, %parallel_loop3A_603 : vector<16xi32>
      %parallel_loop3A_605 = arith.constant 25 : i32
      %parallel_loop3A_606 = arith.muli %parallel_loop3A_262, %parallel_loop3A_605 : i32
      %parallel_loop3A_607 = arith.constant 20 : i32
      %parallel_loop3A_608 = arith.addi %parallel_loop3A_606, %parallel_loop3A_607 : i32
      %parallel_loop3A_609 = arith.constant 16 : i32
      %parallel_loop3A_610 = arith.muli %parallel_loop3A_608, %parallel_loop3A_609 : i32
      %parallel_loop3A_611 = arith.index_cast %parallel_loop3A_610 : i32 to index
      %parallel_loop3A_612 = tpu.vector_load %arg7[%parallel_loop3A_611] {strides = array<i32>} : memref<10000xi32, #tpu.memory_space<vmem>>, vector<16xi32>,
      %parallel_loop3A_613 = arith.constant 0 : i32
      %parallel_loop3A_614 = vector.broadcast %parallel_loop3A_613 : i32 to vector<16xi32>
      %parallel_loop3A_615 = arith.cmpi eq, %parallel_loop3A_612, %parallel_loop3A_614 : vector<16xi32>
      %parallel_loop3A_616 = arith.constant 1 : i32
      %parallel_loop3A_617 = arith.constant 0 : i32
      %parallel_loop3A_618 = vector.broadcast %parallel_loop3A_616 : i32 to vector<16xi32>
      %parallel_loop3A_619 = vector.broadcast %parallel_loop3A_617 : i32 to vector<16xi32>
      %parallel_loop3A_620 = arith.select %parallel_loop3A_615, %parallel_loop3A_618, %parallel_loop3A_619 : vector<16xi1>, vector<16xi32>
      %parallel_loop3A_621 = arith.ori %parallel_loop3A_604, %parallel_loop3A_620 : vector<16xi32>
      %parallel_loop3A_622 = arith.constant 25 : i32
      %parallel_loop3A_623 = arith.muli %parallel_loop3A_262, %parallel_loop3A_622 : i32
      %parallel_loop3A_624 = arith.constant 21 : i32
      %parallel_loop3A_625 = arith.addi %parallel_loop3A_623, %parallel_loop3A_624 : i32
      %parallel_loop3A_626 = arith.constant 16 : i32
      %parallel_loop3A_627 = arith.muli %parallel_loop3A_625, %parallel_loop3A_626 : i32
      %parallel_loop3A_628 = arith.index_cast %parallel_loop3A_627 : i32 to index
      %parallel_loop3A_629 = tpu.vector_load %arg7[%parallel_loop3A_628] {strides = array<i32>} : memref<10000xi32, #tpu.memory_space<vmem>>, vector<16xi32>,
      %parallel_loop3A_630 = arith.constant 0 : i32
      %parallel_loop3A_631 = vector.broadcast %parallel_loop3A_630 : i32 to vector<16xi32>
      %parallel_loop3A_632 = arith.cmpi eq, %parallel_loop3A_629, %parallel_loop3A_631 : vector<16xi32>
      %parallel_loop3A_633 = arith.constant 1 : i32
      %parallel_loop3A_634 = arith.constant 0 : i32
      %parallel_loop3A_635 = vector.broadcast %parallel_loop3A_633 : i32 to vector<16xi32>
      %parallel_loop3A_636 = vector.broadcast %parallel_loop3A_634 : i32 to vector<16xi32>
      %parallel_loop3A_637 = arith.select %parallel_loop3A_632, %parallel_loop3A_635, %parallel_loop3A_636 : vector<16xi1>, vector<16xi32>
      %parallel_loop3A_638 = arith.ori %parallel_loop3A_621, %parallel_loop3A_637 : vector<16xi32>
      %parallel_loop3A_639 = arith.constant 25 : i32
      %parallel_loop3A_640 = arith.muli %parallel_loop3A_262, %parallel_loop3A_639 : i32
      %parallel_loop3A_641 = arith.constant 22 : i32
      %parallel_loop3A_642 = arith.addi %parallel_loop3A_640, %parallel_loop3A_641 : i32
      %parallel_loop3A_643 = arith.constant 16 : i32
      %parallel_loop3A_644 = arith.muli %parallel_loop3A_642, %parallel_loop3A_643 : i32
      %parallel_loop3A_645 = arith.index_cast %parallel_loop3A_644 : i32 to index
      %parallel_loop3A_646 = tpu.vector_load %arg7[%parallel_loop3A_645] {strides = array<i32>} : memref<10000xi32, #tpu.memory_space<vmem>>, vector<16xi32>,
      %parallel_loop3A_647 = arith.constant 0 : i32
      %parallel_loop3A_648 = vector.broadcast %parallel_loop3A_647 : i32 to vector<16xi32>
      %parallel_loop3A_649 = arith.cmpi eq, %parallel_loop3A_646, %parallel_loop3A_648 : vector<16xi32>
      %parallel_loop3A_650 = arith.constant 1 : i32
      %parallel_loop3A_651 = arith.constant 0 : i32
      %parallel_loop3A_652 = vector.broadcast %parallel_loop3A_650 : i32 to vector<16xi32>
      %parallel_loop3A_653 = vector.broadcast %parallel_loop3A_651 : i32 to vector<16xi32>
      %parallel_loop3A_654 = arith.select %parallel_loop3A_649, %parallel_loop3A_652, %parallel_loop3A_653 : vector<16xi1>, vector<16xi32>
      %parallel_loop3A_655 = arith.ori %parallel_loop3A_638, %parallel_loop3A_654 : vector<16xi32>
      %parallel_loop3A_656 = arith.constant 25 : i32
      %parallel_loop3A_657 = arith.muli %parallel_loop3A_262, %parallel_loop3A_656 : i32
      %parallel_loop3A_658 = arith.constant 23 : i32
      %parallel_loop3A_659 = arith.addi %parallel_loop3A_657, %parallel_loop3A_658 : i32
      %parallel_loop3A_660 = arith.constant 16 : i32
      %parallel_loop3A_661 = arith.muli %parallel_loop3A_659, %parallel_loop3A_660 : i32
      %parallel_loop3A_662 = arith.index_cast %parallel_loop3A_661 : i32 to index
      %parallel_loop3A_663 = tpu.vector_load %arg7[%parallel_loop3A_662] {strides = array<i32>} : memref<10000xi32, #tpu.memory_space<vmem>>, vector<16xi32>,
      %parallel_loop3A_664 = arith.constant 0 : i32
      %parallel_loop3A_665 = vector.broadcast %parallel_loop3A_664 : i32 to vector<16xi32>
      %parallel_loop3A_666 = arith.cmpi eq, %parallel_loop3A_663, %parallel_loop3A_665 : vector<16xi32>
      %parallel_loop3A_667 = arith.constant 1 : i32
      %parallel_loop3A_668 = arith.constant 0 : i32
      %parallel_loop3A_669 = vector.broadcast %parallel_loop3A_667 : i32 to vector<16xi32>
      %parallel_loop3A_670 = vector.broadcast %parallel_loop3A_668 : i32 to vector<16xi32>
      %parallel_loop3A_671 = arith.select %parallel_loop3A_666, %parallel_loop3A_669, %parallel_loop3A_670 : vector<16xi1>, vector<16xi32>
      %parallel_loop3A_672 = arith.ori %parallel_loop3A_655, %parallel_loop3A_671 : vector<16xi32>
      %parallel_loop3A_673 = arith.constant 25 : i32
      %parallel_loop3A_674 = arith.muli %parallel_loop3A_262, %parallel_loop3A_673 : i32
      %parallel_loop3A_675 = arith.constant 24 : i32
      %parallel_loop3A_676 = arith.addi %parallel_loop3A_674, %parallel_loop3A_675 : i32
      %parallel_loop3A_677 = arith.constant 16 : i32
      %parallel_loop3A_678 = arith.muli %parallel_loop3A_676, %parallel_loop3A_677 : i32
      %parallel_loop3A_679 = arith.index_cast %parallel_loop3A_678 : i32 to index
      %parallel_loop3A_680 = tpu.vector_load %arg7[%parallel_loop3A_679] {strides = array<i32>} : memref<10000xi32, #tpu.memory_space<vmem>>, vector<16xi32>,
      %parallel_loop3A_681 = arith.constant 0 : i32
      %parallel_loop3A_682 = vector.broadcast %parallel_loop3A_681 : i32 to vector<16xi32>
      %parallel_loop3A_683 = arith.cmpi eq, %parallel_loop3A_680, %parallel_loop3A_682 : vector<16xi32>
      %parallel_loop3A_684 = arith.constant 1 : i32
      %parallel_loop3A_685 = arith.constant 0 : i32
      %parallel_loop3A_686 = vector.broadcast %parallel_loop3A_684 : i32 to vector<16xi32>
      %parallel_loop3A_687 = vector.broadcast %parallel_loop3A_685 : i32 to vector<16xi32>
      %parallel_loop3A_688 = arith.select %parallel_loop3A_683, %parallel_loop3A_686, %parallel_loop3A_687 : vector<16xi1>, vector<16xi32>
      %parallel_loop3A_689 = arith.ori %parallel_loop3A_672, %parallel_loop3A_688 : vector<16xi32>
      %parallel_loop3A_690 = arith.constant 16 : i32
      %parallel_loop3A_691 = arith.muli %parallel_loop3A_262, %parallel_loop3A_690 : i32
      %parallel_loop3A_692 = arith.index_cast %parallel_loop3A_691 : i32 to index
      %parallel_loop3A_693 = tpu.vector_load %arg17[%parallel_loop3A_692] {strides = array<i32>} : memref<400xi32, #tpu.memory_space<vmem>>, vector<16xi32>,
      tpu.vector_store %arg17[%parallel_loop3A_692], %parallel_loop3A_689 {strides = array<i32>} : memref<400xi32, #tpu.memory_space<vmem>>, vector<16xi32>,
    } {sc.loop_unroll_factor = 4 : i64, sc.parallel_access}
    %scan3A = arith.constant 0 : i32
    %scan3A_213 = arith.constant 0 : i32
    %scan3A_214 = arith.constant 25 : i32
    %scan3A_215 = arith.addi %scan3A_213, %scan3A_214 : i32
    %scan3A_216 = arith.constant 1 : i32
    %scan3A_217 = scf.for %scan3A_262 = %scan3A_213 to %scan3A_215 step %scan3A_216 iter_args(%scan3A_263 = %scan3A) -> (i32)  : i32 {
      %mul3A_264 = arith.constant 16 : i32
      %mul3A_265 = arith.muli %scan3A_262, %mul3A_264 : i32
      %get3A = arith.index_cast %mul3A_265 : i32 to index
      %get3A_266 = tpu.vector_load %arg17[%get3A] {strides = array<i32>} : memref<400xi32, #tpu.memory_space<vmem>>, vector<16xi32>,
      %gt3A = arith.constant 0 : i32
      %gt3A_267 = vector.broadcast %gt3A : i32 to vector<16xi32>
      %gt3A_268 = arith.cmpi sgt, %get3A_266, %gt3A_267 : vector<16xi32>
      %all_reduce_population_count3A = tpu.all_reduce %gt3A_268 {dim = 0 : i64, kind = #tpu.reduction_kind<sum>} : vector<16xi1> -> vector<16xi32>
      %slice3A = vector.extract_strided_slice %all_reduce_population_count3A {offsets = [0], sizes = [1], strides = [1]} : vector<16xi32> to vector<1xi32>
      %squeeze3A = vector.extract %slice3A[0] : i32 from vector<1xi32>
      %gt3A_269 = arith.constant 0 : i32
      %gt3A_270 = arith.cmpi sgt, %squeeze3A, %gt3A_269 : i32
      %convert_element_type3A_271 = arith.extui %gt3A_270 : i1 to i32
      %cond3A_272 = arith.constant 0 : i32
      %cond3A_273 = arith.cmpi ne, %convert_element_type3A_271, %cond3A_272 : i32
      %cond3A_274 = scf.if %cond3A_273 -> (i32) {
        %scan3A_275 = arith.constant 0 : i32
        %scan3A_276 = arith.constant 25 : i32
        %scan3A_277 = arith.addi %scan3A_275, %scan3A_276 : i32
        %scan3A_278 = arith.constant 1 : i32
        %scan3A_279 = scf.for %scan3A_281 = %scan3A_275 to %scan3A_277 step %scan3A_278 iter_args(%scan3A_282 = %scan3A_263) -> (i32)  : i32 {
          %mul3A_283 = arith.constant 25 : i32
          %mul3A_284 = arith.muli %scan3A_262, %mul3A_283 : i32
          %add3A_285 = arith.addi %mul3A_284, %scan3A_281 : i32
          %mul3A_286 = arith.constant 16 : i32
          %mul3A_287 = arith.muli %add3A_285, %mul3A_286 : i32
          %get3A_288 = arith.index_cast %mul3A_287 : i32 to index
          %get3A_289 = tpu.vector_load %arg7[%get3A_288] {strides = array<i32>} : memref<10000xi32, #tpu.memory_space<vmem>>, vector<16xi32>,
          %eq3A_290 = arith.constant 0 : i32
          %eq3A_291 = vector.broadcast %eq3A_290 : i32 to vector<16xi32>
          %eq3A_292 = arith.cmpi eq, %get3A_289, %eq3A_291 : vector<16xi32>
          %all_reduce_population_count3A_293 = tpu.all_reduce %eq3A_292 {dim = 0 : i64, kind = #tpu.reduction_kind<sum>} : vector<16xi1> -> vector<16xi32>
          %slice3A_294 = vector.extract_strided_slice %all_reduce_population_count3A_293 {offsets = [0], sizes = [1], strides = [1]} : vector<16xi32> to vector<1xi32>
          %squeeze3A_295 = vector.extract %slice3A_294[0] : i32 from vector<1xi32>
          %gt3A_296 = arith.constant 0 : i32
          %gt3A_297 = arith.cmpi sgt, %squeeze3A_295, %gt3A_296 : i32
          %convert_element_type3A_298 = arith.extui %gt3A_297 : i1 to i32
          %cond3A_299 = arith.constant 0 : i32
          %cond3A_300 = arith.cmpi ne, %convert_element_type3A_298, %cond3A_299 : i32
          %cond3A_301 = scf.if %cond3A_300 -> (i32) {
            %get3A_302 = arith.constant 0 : index
            %get3A_303 = tpu.vector_load %arg16[%get3A_302] {strides = array<i32>} : memref<16xf32, #tpu.memory_space<vmem>>, vector<16xf32>,
            %jit3A_304 = arith.constant 1.000000e+00 : f32
            %jit3A_305 = arith.constant 0.000000e+00 : f32
            %broadcast_in_dim3A_306 = vector.broadcast %jit3A_304 : f32 to vector<16xf32>
            %broadcast_in_dim3A_307 = vector.broadcast %jit3A_305 : f32 to vector<16xf32>
            %select_n3A_308 = arith.select %eq3A_292, %broadcast_in_dim3A_306, %broadcast_in_dim3A_307 : vector<16xi1>, vector<16xf32>
            %add3A_309 = arith.addf %get3A_303, %select_n3A_308 : vector<16xf32>
            %swap3A_310 = arith.constant 0 : index
            %swap3A_311 = tpu.vector_load %arg16[%swap3A_310] {strides = array<i32>} : memref<16xf32, #tpu.memory_space<vmem>>, vector<16xf32>,
            tpu.vector_store %arg16[%swap3A_310], %add3A_309 {strides = array<i32>} : memref<16xf32, #tpu.memory_space<vmem>>, vector<16xf32>,
            %mul3A_312 = arith.constant 16 : i32
            %mul3A_313 = arith.muli %add3A_285, %mul3A_312 : i32
            %get3A_314 = arith.index_cast %mul3A_313 : i32 to index
            %get3A_315 = tpu.vector_load %arg8[%get3A_314] {strides = array<i32>} : memref<10000xi32, #tpu.memory_space<vmem>>, vector<16xi32>,
            %swap3A_316 = arith.index_cast %scan3A_282 : i32 to index
            %swap3A_317 = tpu.vector_load %arg10[%swap3A_316] masked %eq3A_292 {strides = array<i32>} : memref<10016xi32, #tpu.memory_space<vmem>>, vector<16xi32>, vector<16xi1>
            tpu.vector_store %arg10[%swap3A_316], %get3A_315 masked %eq3A_292 {strides = array<i32>} : memref<10016xi32, #tpu.memory_space<vmem>>, vector<16xi32>, vector<16xi1>
            %mul3A_318 = arith.constant 16 : i32
            %mul3A_319 = arith.muli %add3A_285, %mul3A_318 : i32
            %get3A_320 = arith.index_cast %mul3A_319 : i32 to index
            %get3A_321 = tpu.vector_load %arg9[%get3A_320] {strides = array<i32>} : memref<10000xi32, #tpu.memory_space<vmem>>, vector<16xi32>,
            %swap3A_322 = arith.index_cast %scan3A_282 : i32 to index
            %swap3A_323 = tpu.vector_load %arg11[%swap3A_322] masked %eq3A_292 {strides = array<i32>} : memref<10016xi32, #tpu.memory_space<vmem>>, vector<16xi32>, vector<16xi1>
            tpu.vector_store %arg11[%swap3A_322], %get3A_321 masked %eq3A_292 {strides = array<i32>} : memref<10016xi32, #tpu.memory_space<vmem>>, vector<16xi32>, vector<16xi1>
            %slice3A_324 = vector.extract_strided_slice %all_reduce_population_count3A_293 {offsets = [0], sizes = [1], strides = [1]} : vector<16xi32> to vector<1xi32>
            %squeeze3A_325 = vector.extract %slice3A_324[0] : i32 from vector<1xi32>
            %add3A_326 = arith.addi %scan3A_282, %squeeze3A_325 : i32
            scf.yield %add3A_326 : i32
          } else {
            scf.yield %scan3A_282 : i32
          }
          scf.yield %cond3A_301 : i32
        }
        %scan3A_280 = arith.constant 25 : i32
        scf.yield %scan3A_279 : i32
      } else {
        scf.yield %scan3A_263 : i32
      }
      scf.yield %cond3A_274 : i32
    }
    %scan3A_218 = arith.constant 25 : i32
    %broadcast_in_dim3A_219 = arith.constant 0 : i32
    %broadcast_in_dim3A_220 = vector.broadcast %broadcast_in_dim3A_219 : i32 to vector<16xi32>
    %swap3A_221 = arith.index_cast %scan3A_217 : i32 to index
    %swap3A_222 = tpu.vector_load %arg10[%swap3A_221] {strides = array<i32>} : memref<10016xi32, #tpu.memory_space<vmem>>, vector<16xi32>,
    tpu.vector_store %arg10[%swap3A_221], %broadcast_in_dim3A_220 {strides = array<i32>} : memref<10016xi32, #tpu.memory_space<vmem>>, vector<16xi32>,
    %broadcast_in_dim3A_223 = arith.constant 5 : i32
    %broadcast_in_dim3A_224 = vector.broadcast %broadcast_in_dim3A_223 : i32 to vector<16xi32>
    %swap3A_225 = arith.index_cast %scan3A_217 : i32 to index
    %swap3A_226 = tpu.vector_load %arg11[%swap3A_225] {strides = array<i32>} : memref<10016xi32, #tpu.memory_space<vmem>>, vector<16xi32>,
    tpu.vector_store %arg11[%swap3A_225], %broadcast_in_dim3A_224 {strides = array<i32>} : memref<10016xi32, #tpu.memory_space<vmem>>, vector<16xi32>,
    %add3A_227 = arith.constant 16 : i32
    %add3A_228 = arith.addi %scan3A_217, %add3A_227 : i32
    %sub3A = arith.constant 1 : i32
    %sub3A_229 = arith.subi %add3A_228, %sub3A : i32
    %jit3A = arith.constant 16 : i32
    %div3A = arith.divsi %sub3A_229, %jit3A : i32
    %sign3A = arith.constant 0 : i32
    %sign3A_230 = arith.cmpi sgt, %sub3A_229, %sign3A : i32
    %sign3A_231 = arith.extui %sign3A_230 : i1 to i32
    %sign3A_232 = arith.constant 0 : i32
    %sign3A_233 = arith.cmpi slt, %sub3A_229, %sign3A_232 : i32
    %sign3A_234 = arith.extui %sign3A_233 : i1 to i32
    %sign3A_235 = arith.subi %sign3A_231, %sign3A_234 : i32
    %sign3A_236 = arith.constant 0 : i32
    %sign3A_237 = arith.cmpi sgt, %jit3A, %sign3A_236 : i32
    %sign3A_238 = arith.extui %sign3A_237 : i1 to i32
    %sign3A_239 = arith.constant 0 : i32
    %sign3A_240 = arith.cmpi slt, %jit3A, %sign3A_239 : i32
    %sign3A_241 = arith.extui %sign3A_240 : i1 to i32
    %sign3A_242 = arith.subi %sign3A_238, %sign3A_241 : i32
    %ne3A = arith.cmpi ne, %sign3A_235, %sign3A_242 : i32
    %rem3A = arith.remsi %sub3A_229, %jit3A : i32
    %ne3A_243 = arith.constant 0 : i32
    %ne3A_244 = arith.cmpi ne, %rem3A, %ne3A_243 : i32
    %and3A = arith.andi %ne3A, %ne3A_244 : i1
    %sub3A_245 = arith.constant 1 : i32
    %sub3A_246 = arith.subi %div3A, %sub3A_245 : i32
    %select_n3A = arith.select %and3A, %sub3A_246, %div3A : i32
    %while3A = arith.constant 0 : i32
    %while3A_247 = arith.constant 0 : i32
    %while3A_248 = arith.subi %select_n3A, %while3A_247 : i32
    %while3A_249 = arith.addi %while3A_247, %while3A_248 : i32
    %while3A_250 = arith.constant 1 : i32
    %while3A_251 = arith.divsi %while3A_248, %while3A_250 : i32
    %while3A_252 = arith.muli %while3A_251, %while3A_250 : i32
    %while3A_253 = arith.addi %while3A_247, %while3A_252 : i32
    %while3A_254 = arith.constant 1 : i32
    scf.for %while3A_262 = %while3A_247 to %while3A_253 step %while3A_254  : i32 {
      %mul3A_263 = arith.constant 16 : i32
      %mul3A_264 = arith.muli %while3A_262, %mul3A_263 : i32
      %get3A = arith.index_cast %mul3A_264 : i32 to index
      %get3A_265 = tpu.vector_load %arg10[%get3A] {strides = array<i32>} : memref<10016xi32, #tpu.memory_space<vmem>>, vector<16xi32>,
      %swap3A_266 = arith.constant 0 : i32
      %swap3A_267 = arith.index_cast %swap3A_266 : i32 to index
      %swap3A_268 = arith.constant 0 : index
      %swap3A_269 = tpu.vector_load %arg12[%swap3A_267, %swap3A_268] {strides = array<i32>} : memref<1x16xi32, #tpu.memory_space<vmem>>, vector<16xi32>,
      tpu.vector_store %arg12[%swap3A_267, %swap3A_268], %get3A_265 {strides = array<i32>} : memref<1x16xi32, #tpu.memory_space<vmem>>, vector<16xi32>,
      %mul3A_270 = arith.constant 16 : i32
      %mul3A_271 = arith.muli %while3A_262, %mul3A_270 : i32
      %get3A_272 = arith.index_cast %mul3A_271 : i32 to index
      %get3A_273 = tpu.vector_load %arg11[%get3A_272] {strides = array<i32>} : memref<10016xi32, #tpu.memory_space<vmem>>, vector<16xi32>,
      %swap3A_274 = arith.constant 0 : i32
      %swap3A_275 = arith.index_cast %swap3A_274 : i32 to index
      %swap3A_276 = arith.constant 0 : index
      %swap3A_277 = tpu.vector_load %arg13[%swap3A_275, %swap3A_276] {strides = array<i32>} : memref<1x16xi32, #tpu.memory_space<vmem>>, vector<16xi32>,
      tpu.vector_store %arg13[%swap3A_275, %swap3A_276], %get3A_273 {strides = array<i32>} : memref<1x16xi32, #tpu.memory_space<vmem>>, vector<16xi32>,
      %dma_start3A_278 = arith.constant 0 : i32
      %dma_start3A_279 = arith.constant 0 : i32
      %dma_start3A_280 = tpu.memref_slice %arg12[%dma_start3A_278, %dma_start3A_279] : memref<1x16xi32, #tpu.memory_space<vmem>> -> memref<1x16xi32, #tpu.memory_space<vmem>>
      %dma_start3A_281 = tpu.memref_squeeze %dma_start3A_280 : memref<1x16xi32, #tpu.memory_space<vmem>> -> memref<16xi32, #tpu.memory_space<vmem>>
      %dma_start3A_282 = arith.constant 0 : i32
      %dma_start3A_283 = arith.constant 0 : i32
      %dma_start3A_284 = tpu.memref_slice %arg4[%dma_start3A_282, %dma_start3A_283] : memref<10000x128xf32, #tpu.memory_space<hbm>> -> memref<10000x128xf32, #tpu.memory_space<hbm>>
      tpu.enqueue_indirect_dma source(%dma_start3A_284 : memref<10000x128xf32, #tpu.memory_space<hbm>>) target(%arg14 : memref<16x128xf32, #tpu.memory_space<vmem>>) offsets(%dma_start3A_281 : memref<16xi32, #tpu.memory_space<vmem>>) semaphore(%arg19 : memref<!tpu.dma_semaphore, #tpu.memory_space<semaphore_mem>>)
      %dma_wait3A_285 = arith.constant 0 : i32
      %dma_wait3A_286 = arith.constant 0 : i32
      %dma_wait3A_287 = tpu.memref_slice %arg12[%dma_wait3A_285, %dma_wait3A_286] : memref<1x16xi32, #tpu.memory_space<vmem>> -> memref<1x16xi32, #tpu.memory_space<vmem>>
      %dma_wait3A_288 = tpu.memref_squeeze %dma_wait3A_287 : memref<1x16xi32, #tpu.memory_space<vmem>> -> memref<16xi32, #tpu.memory_space<vmem>>
      %dma_wait3A_289 = arith.constant 0 : i32
      %dma_wait3A_290 = arith.constant 0 : i32
      %dma_wait3A_291 = tpu.memref_slice %arg4[%dma_wait3A_289, %dma_wait3A_290] : memref<10000x128xf32, #tpu.memory_space<hbm>> -> memref<10000x128xf32, #tpu.memory_space<hbm>>
      tpu.wait_indirect_dma semaphore(%arg19 : memref<!tpu.dma_semaphore, #tpu.memory_space<semaphore_mem>>) src(%dma_wait3A_291 : memref<10000x128xf32, #tpu.memory_space<hbm>>) dst(%arg14 : memref<16x128xf32, #tpu.memory_space<vmem>>)
      %run_scoped3A = arith.constant 0 : i32
      "tpu.region"() ({
        %run_scoped3A_292 = tpu.sem_alloc : memref<!tpu.dma_semaphore, #tpu.memory_space<semaphore_mem>>
        %dma_start3A_293 = arith.constant 0 : i32
        %dma_start3A_294 = tpu.memref_slice %arg13[%run_scoped3A, %dma_start3A_293] : memref<1x16xi32, #tpu.memory_space<vmem>> -> memref<1x16xi32, #tpu.memory_space<vmem>>
        %dma_start3A_295 = tpu.memref_squeeze %dma_start3A_294 : memref<1x16xi32, #tpu.memory_space<vmem>> -> memref<16xi32, #tpu.memory_space<vmem>>
        %dma_start3A_296 = arith.constant 0 : i32
        %dma_start3A_297 = arith.constant 0 : i32
        %dma_start3A_298 = tpu.memref_slice %arg18[%dma_start3A_296, %dma_start3A_297] : memref<6x128xf32, #tpu.memory_space<vmem_shared>> -> memref<6x128xf32, #tpu.memory_space<vmem_shared>>
        tpu.enqueue_indirect_dma source(%arg14 : memref<16x128xf32, #tpu.memory_space<vmem>>) target(%dma_start3A_298 : memref<6x128xf32, #tpu.memory_space<vmem_shared>>) offsets(%dma_start3A_295 : memref<16xi32, #tpu.memory_space<vmem>>) semaphore(%run_scoped3A_292 : memref<!tpu.dma_semaphore, #tpu.memory_space<semaphore_mem>>) {add = true}
        %dma_wait3A_299 = arith.constant 0 : i32
        %dma_wait3A_300 = tpu.memref_slice %arg13[%run_scoped3A, %dma_wait3A_299] : memref<1x16xi32, #tpu.memory_space<vmem>> -> memref<1x16xi32, #tpu.memory_space<vmem>>
        %dma_wait3A_301 = tpu.memref_squeeze %dma_wait3A_300 : memref<1x16xi32, #tpu.memory_space<vmem>> -> memref<16xi32, #tpu.memory_space<vmem>>
        %dma_wait3A_302 = arith.constant 0 : i32
        %dma_wait3A_303 = arith.constant 0 : i32
        %dma_wait3A_304 = tpu.memref_slice %arg18[%dma_wait3A_302, %dma_wait3A_303] : memref<6x128xf32, #tpu.memory_space<vmem_shared>> -> memref<6x128xf32, #tpu.memory_space<vmem_shared>>
        tpu.wait_indirect_dma semaphore(%run_scoped3A_292 : memref<!tpu.dma_semaphore, #tpu.memory_space<semaphore_mem>>) src(%arg14 : memref<16x128xf32, #tpu.memory_space<vmem>>) dst(%dma_wait3A_304 : memref<6x128xf32, #tpu.memory_space<vmem_shared>>)
        tpu.yield
      }) : () -> ()
    }
    %while3A_255 = arith.constant 1 : i32
    scf.for %while3A_262 = %while3A_253 to %while3A_249 step %while3A_255  : i32 {
      %mul3A_263 = arith.constant 16 : i32
      %mul3A_264 = arith.muli %while3A_262, %mul3A_263 : i32
      %get3A = arith.index_cast %mul3A_264 : i32 to index
      %get3A_265 = tpu.vector_load %arg10[%get3A] {strides = array<i32>} : memref<10016xi32, #tpu.memory_space<vmem>>, vector<16xi32>,
      %swap3A_266 = arith.constant 0 : i32
      %swap3A_267 = arith.index_cast %swap3A_266 : i32 to index
      %swap3A_268 = arith.constant 0 : index
      %swap3A_269 = tpu.vector_load %arg12[%swap3A_267, %swap3A_268] {strides = array<i32>} : memref<1x16xi32, #tpu.memory_space<vmem>>, vector<16xi32>,
      tpu.vector_store %arg12[%swap3A_267, %swap3A_268], %get3A_265 {strides = array<i32>} : memref<1x16xi32, #tpu.memory_space<vmem>>, vector<16xi32>,
      %mul3A_270 = arith.constant 16 : i32
      %mul3A_271 = arith.muli %while3A_262, %mul3A_270 : i32
      %get3A_272 = arith.index_cast %mul3A_271 : i32 to index
      %get3A_273 = tpu.vector_load %arg11[%get3A_272] {strides = array<i32>} : memref<10016xi32, #tpu.memory_space<vmem>>, vector<16xi32>,
      %swap3A_274 = arith.constant 0 : i32
      %swap3A_275 = arith.index_cast %swap3A_274 : i32 to index
      %swap3A_276 = arith.constant 0 : index
      %swap3A_277 = tpu.vector_load %arg13[%swap3A_275, %swap3A_276] {strides = array<i32>} : memref<1x16xi32, #tpu.memory_space<vmem>>, vector<16xi32>,
      tpu.vector_store %arg13[%swap3A_275, %swap3A_276], %get3A_273 {strides = array<i32>} : memref<1x16xi32, #tpu.memory_space<vmem>>, vector<16xi32>,
      %dma_start3A_278 = arith.constant 0 : i32
      %dma_start3A_279 = arith.constant 0 : i32
      %dma_start3A_280 = tpu.memref_slice %arg12[%dma_start3A_278, %dma_start3A_279] : memref<1x16xi32, #tpu.memory_space<vmem>> -> memref<1x16xi32, #tpu.memory_space<vmem>>
      %dma_start3A_281 = tpu.memref_squeeze %dma_start3A_280 : memref<1x16xi32, #tpu.memory_space<vmem>> -> memref<16xi32, #tpu.memory_space<vmem>>
      %dma_start3A_282 = arith.constant 0 : i32
      %dma_start3A_283 = arith.constant 0 : i32
      %dma_start3A_284 = tpu.memref_slice %arg4[%dma_start3A_282, %dma_start3A_283] : memref<10000x128xf32, #tpu.memory_space<hbm>> -> memref<10000x128xf32, #tpu.memory_space<hbm>>
      tpu.enqueue_indirect_dma source(%dma_start3A_284 : memref<10000x128xf32, #tpu.memory_space<hbm>>) target(%arg14 : memref<16x128xf32, #tpu.memory_space<vmem>>) offsets(%dma_start3A_281 : memref<16xi32, #tpu.memory_space<vmem>>) semaphore(%arg19 : memref<!tpu.dma_semaphore, #tpu.memory_space<semaphore_mem>>)
      %dma_wait3A_285 = arith.constant 0 : i32
      %dma_wait3A_286 = arith.constant 0 : i32
      %dma_wait3A_287 = tpu.memref_slice %arg12[%dma_wait3A_285, %dma_wait3A_286] : memref<1x16xi32, #tpu.memory_space<vmem>> -> memref<1x16xi32, #tpu.memory_space<vmem>>
      %dma_wait3A_288 = tpu.memref_squeeze %dma_wait3A_287 : memref<1x16xi32, #tpu.memory_space<vmem>> -> memref<16xi32, #tpu.memory_space<vmem>>
      %dma_wait3A_289 = arith.constant 0 : i32
      %dma_wait3A_290 = arith.constant 0 : i32
      %dma_wait3A_291 = tpu.memref_slice %arg4[%dma_wait3A_289, %dma_wait3A_290] : memref<10000x128xf32, #tpu.memory_space<hbm>> -> memref<10000x128xf32, #tpu.memory_space<hbm>>
      tpu.wait_indirect_dma semaphore(%arg19 : memref<!tpu.dma_semaphore, #tpu.memory_space<semaphore_mem>>) src(%dma_wait3A_291 : memref<10000x128xf32, #tpu.memory_space<hbm>>) dst(%arg14 : memref<16x128xf32, #tpu.memory_space<vmem>>)
      %run_scoped3A = arith.constant 0 : i32
      "tpu.region"() ({
        %run_scoped3A_292 = tpu.sem_alloc : memref<!tpu.dma_semaphore, #tpu.memory_space<semaphore_mem>>
        %dma_start3A_293 = arith.constant 0 : i32
        %dma_start3A_294 = tpu.memref_slice %arg13[%run_scoped3A, %dma_start3A_293] : memref<1x16xi32, #tpu.memory_space<vmem>> -> memref<1x16xi32, #tpu.memory_space<vmem>>
        %dma_start3A_295 = tpu.memref_squeeze %dma_start3A_294 : memref<1x16xi32, #tpu.memory_space<vmem>> -> memref<16xi32, #tpu.memory_space<vmem>>
        %dma_start3A_296 = arith.constant 0 : i32
        %dma_start3A_297 = arith.constant 0 : i32
        %dma_start3A_298 = tpu.memref_slice %arg18[%dma_start3A_296, %dma_start3A_297] : memref<6x128xf32, #tpu.memory_space<vmem_shared>> -> memref<6x128xf32, #tpu.memory_space<vmem_shared>>
        tpu.enqueue_indirect_dma source(%arg14 : memref<16x128xf32, #tpu.memory_space<vmem>>) target(%dma_start3A_298 : memref<6x128xf32, #tpu.memory_space<vmem_shared>>) offsets(%dma_start3A_295 : memref<16xi32, #tpu.memory_space<vmem>>) semaphore(%run_scoped3A_292 : memref<!tpu.dma_semaphore, #tpu.memory_space<semaphore_mem>>) {add = true}
        %dma_wait3A_299 = arith.constant 0 : i32
        %dma_wait3A_300 = tpu.memref_slice %arg13[%run_scoped3A, %dma_wait3A_299] : memref<1x16xi32, #tpu.memory_space<vmem>> -> memref<1x16xi32, #tpu.memory_space<vmem>>
        %dma_wait3A_301 = tpu.memref_squeeze %dma_wait3A_300 : memref<1x16xi32, #tpu.memory_space<vmem>> -> memref<16xi32, #tpu.memory_space<vmem>>
        %dma_wait3A_302 = arith.constant 0 : i32
        %dma_wait3A_303 = arith.constant 0 : i32
        %dma_wait3A_304 = tpu.memref_slice %arg18[%dma_wait3A_302, %dma_wait3A_303] : memref<6x128xf32, #tpu.memory_space<vmem_shared>> -> memref<6x128xf32, #tpu.memory_space<vmem_shared>>
        tpu.wait_indirect_dma semaphore(%run_scoped3A_292 : memref<!tpu.dma_semaphore, #tpu.memory_space<semaphore_mem>>) src(%arg14 : memref<16x128xf32, #tpu.memory_space<vmem>>) dst(%dma_wait3A_304 : memref<6x128xf32, #tpu.memory_space<vmem_shared>>)
        tpu.yield
      }) : () -> ()
    }
    "tpu.region"() ({
      %run_scoped3A = tpu.sem_alloc : memref<!tpu.dma_semaphore, #tpu.memory_space<semaphore_mem>>
      %dma_start3A_262 = arith.constant 0 : i32
      %dma_start3A_263 = tpu.memref_slice %arg6[%add3A, %dma_start3A_262] : memref<32x16xf32, #tpu.memory_space<hbm>> -> memref<1x16xf32, #tpu.memory_space<hbm>>
      %dma_start3A_264 = tpu.memref_squeeze %dma_start3A_263 : memref<1x16xf32, #tpu.memory_space<hbm>> -> memref<16xf32, #tpu.memory_space<hbm>>
      %dma_start3A_265 = arith.constant 0 : i32
      %dma_start3A_266 = tpu.memref_slice %arg6[%add3A, %dma_start3A_265] : memref<32x16xf32, #tpu.memory_space<hbm>> -> memref<1x16xf32, #tpu.memory_space<hbm>>
      %dma_start3A_267 = tpu.memref_squeeze %dma_start3A_266 : memref<1x16xf32, #tpu.memory_space<hbm>> -> memref<16xf32, #tpu.memory_space<hbm>>
      tpu.enqueue_dma source(%arg16 : memref<16xf32, #tpu.memory_space<vmem>>) target(%dma_start3A_267 : memref<16xf32, #tpu.memory_space<hbm>>) target_semaphore(%run_scoped3A : memref<!tpu.dma_semaphore, #tpu.memory_space<semaphore_mem>>)
      %dma_wait3A_268 = arith.constant 0 : i32
      %dma_wait3A_269 = tpu.memref_slice %arg6[%add3A, %dma_wait3A_268] : memref<32x16xf32, #tpu.memory_space<hbm>> -> memref<1x16xf32, #tpu.memory_space<hbm>>
      %dma_wait3A_270 = tpu.memref_squeeze %dma_wait3A_269 : memref<1x16xf32, #tpu.memory_space<hbm>> -> memref<16xf32, #tpu.memory_space<hbm>>
      %dma_wait3A_271 = arith.constant 0 : i32
      %dma_wait3A_272 = tpu.memref_slice %arg6[%add3A, %dma_wait3A_271] : memref<32x16xf32, #tpu.memory_space<hbm>> -> memref<1x16xf32, #tpu.memory_space<hbm>>
      %dma_wait3A_273 = tpu.memref_squeeze %dma_wait3A_272 : memref<1x16xf32, #tpu.memory_space<hbm>> -> memref<16xf32, #tpu.memory_space<hbm>>
      tpu.wait_dma2 semaphore(%run_scoped3A : memref<!tpu.dma_semaphore, #tpu.memory_space<semaphore_mem>>) src(%arg16 : memref<16xf32, #tpu.memory_space<vmem>>) dst(%dma_wait3A_273 : memref<16xf32, #tpu.memory_space<hbm>>)
      tpu.yield
    }) : () -> ()
    %barrier3A_256 = arith.constant 0 : index
    tpu.barrier barrier_id(%barrier3A_256)
    %eq3A_257 = arith.constant 0 : i32
    %eq3A_258 = arith.cmpi eq, %arg1, %eq3A_257 : i32
    %convert_element_type3A_259 = arith.extui %eq3A_258 : i1 to i32
    %cond3A_260 = arith.constant 0 : i32
    %cond3A_261 = arith.cmpi ne, %convert_element_type3A_259, %cond3A_260 : i32
    scf.if %cond3A_261 {
      "tpu.region"() ({
        %run_scoped3A = tpu.sem_alloc : memref<!tpu.dma_semaphore, #tpu.memory_space<semaphore_mem>>
        %dma_start3A_262 = arith.constant 0 : i32
        %dma_start3A_263 = arith.constant 0 : i32
        %dma_start3A_264 = tpu.memref_slice %arg5[%arg0, %dma_start3A_262, %dma_start3A_263] : memref<2x6x128xf32, #tpu.memory_space<hbm>> -> memref<1x6x128xf32, #tpu.memory_space<hbm>>
        %dma_start3A_265 = tpu.memref_squeeze %dma_start3A_264 : memref<1x6x128xf32, #tpu.memory_space<hbm>> -> memref<6x128xf32, #tpu.memory_space<hbm>>
        tpu.enqueue_dma source(%arg18 : memref<6x128xf32, #tpu.memory_space<vmem_shared>>) target(%dma_start3A_265 : memref<6x128xf32, #tpu.memory_space<hbm>>) target_semaphore(%run_scoped3A : memref<!tpu.dma_semaphore, #tpu.memory_space<semaphore_mem>>)
        %dma_wait3A_266 = arith.constant 0 : i32
        %dma_wait3A_267 = arith.constant 0 : i32
        %dma_wait3A_268 = tpu.memref_slice %arg5[%arg0, %dma_wait3A_266, %dma_wait3A_267] : memref<2x6x128xf32, #tpu.memory_space<hbm>> -> memref<1x6x128xf32, #tpu.memory_space<hbm>>
        %dma_wait3A_269 = tpu.memref_squeeze %dma_wait3A_268 : memref<1x6x128xf32, #tpu.memory_space<hbm>> -> memref<6x128xf32, #tpu.memory_space<hbm>>
        tpu.wait_dma2 semaphore(%run_scoped3A : memref<!tpu.dma_semaphore, #tpu.memory_space<semaphore_mem>>) src(%arg18 : memref<6x128xf32, #tpu.memory_space<vmem_shared>>) dst(%dma_wait3A_269 : memref<6x128xf32, #tpu.memory_space<hbm>>)
        tpu.yield
      }) : () -> ()
    } else {
    }
    return
  }
}

module attributes {stable_mosaic.version = 14 : i64} {
  func.func @_tc_body(%arg0: i32, %arg1: memref<2x6x128xf32, #tpu.memory_space<vmem>>, %arg2: memref<32x16xf32, #tpu.memory_space<vmem>>, %arg3: memref<5x5xf32, #tpu.memory_space<vmem>>, %arg4: memref<5x128x128xf32, #tpu.memory_space<vmem>>, %arg5: memref<128x128xf32, #tpu.memory_space<vmem>>, %arg6: memref<1x128xf32, #tpu.memory_space<vmem>>, %arg7: memref<8x128xf32, #tpu.memory_space<vmem>>, %arg8: memref<128x7500xf32, #tpu.memory_space<vmem>>, %arg9: memref<1x7500xf32, #tpu.memory_space<vmem>>, %arg10: memref<128x2000xf32, #tpu.memory_space<vmem>>, %arg11: memref<1x2000xf32, #tpu.memory_space<vmem>>, %arg12: memref<1x7500xf32, #tpu.memory_space<vmem>>, %arg13: memref<1x2000xf32, #tpu.memory_space<vmem>>) attributes {dimension_semantics = [#tpu.dimension_semantics<arbitrary>], iteration_bounds = array<i64: 1>, scalar_prefetch = 0 : i64, scratch_operands = 0 : i64, tpu.core_type = #tpu.core_type<tc>, window_params = [{pipeline_mode = #tpu.pipeline_mode<synchronous>, transform_indices = @transform_0, window_bounds = array<i64: 2, 6, 128>}, {pipeline_mode = #tpu.pipeline_mode<synchronous>, transform_indices = @transform_1, window_bounds = array<i64: 32, 16>}, {pipeline_mode = #tpu.pipeline_mode<synchronous>, transform_indices = @transform_2, window_bounds = array<i64: 5, 5>}, {pipeline_mode = #tpu.pipeline_mode<synchronous>, transform_indices = @transform_3, window_bounds = array<i64: 5, 128, 128>}, {pipeline_mode = #tpu.pipeline_mode<synchronous>, transform_indices = @transform_4, window_bounds = array<i64: 128, 128>}, {pipeline_mode = #tpu.pipeline_mode<synchronous>, transform_indices = @transform_5, window_bounds = array<i64: 1, 128>}, {transform_indices = @transform_6, window_bounds = array<i64: 8, 128>}, {pipeline_mode = #tpu.pipeline_mode<synchronous>, transform_indices = @transform_7, window_bounds = array<i64: 128, 7500>}, {pipeline_mode = #tpu.pipeline_mode<synchronous>, transform_indices = @transform_8, window_bounds = array<i64: 1, 7500>}, {pipeline_mode = #tpu.pipeline_mode<synchronous>, transform_indices = @transform_9, window_bounds = array<i64: 128, 2000>}, {pipeline_mode = #tpu.pipeline_mode<synchronous>, transform_indices = @transform_10, window_bounds = array<i64: 1, 2000>}, {pipeline_mode = #tpu.pipeline_mode<synchronous>, transform_indices = @transform_11, window_bounds = array<i64: 1, 7500>}, {pipeline_mode = #tpu.pipeline_mode<synchronous>, transform_indices = @transform_12, window_bounds = array<i64: 1, 2000>}]} {
    %get3A = arith.constant 0 : index
    %get3A_0 = arith.constant 0 : index
    %get3A_1 = arith.constant 0 : index
    %get3A_2 = vector.load %arg1[%get3A, %get3A_0, %get3A_1] : memref<2x6x128xf32, #tpu.memory_space<vmem>>, vector<2x5x128xf32>
    %reduce_sum3A = arith.constant dense<0.000000e+00> : vector<5x128xf32>
    %reduce_sum3A_3 = vector.multi_reduction <add>, %get3A_2, %reduce_sum3A [0] : vector<2x5x128xf32> to vector<5x128xf32>
    %get3A_4 = arith.constant 0 : index
    %get3A_5 = arith.constant 0 : index
    %get3A_6 = vector.load %arg2[%get3A_4, %get3A_5] : memref<32x16xf32, #tpu.memory_space<vmem>>, vector<32x16xf32>
    %reduce_sum3A_7 = vector.shape_cast %get3A_6 : vector<32x16xf32> to vector<1x32x16xf32>
    %reduce_sum3A_8 = arith.constant dense<0.000000e+00> : vector<1xf32>
    %reduce_sum3A_9 = vector.multi_reduction <add>, %reduce_sum3A_7, %reduce_sum3A_8 [1, 2] : vector<1x32x16xf32> to vector<1xf32>
    %reduce_sum3A_10 = vector.shape_cast %reduce_sum3A_9 : vector<1xf32> to vector<1x1x1xf32>
    %reduce_sum3A_11 = vector.extract %reduce_sum3A_10[0, 0, 0] : f32 from vector<1x1x1xf32>
    %get3A_12 = arith.constant 0 : index
    %get3A_13 = arith.constant 0 : index
    %get3A_14 = vector.load %arg3[%get3A_12, %get3A_13] : memref<5x5xf32, #tpu.memory_space<vmem>>, vector<5x5xf32>
    %dot_general3A = arith.constant dense<0.000000e+00> : vector<5x128xf32>
    %dot_general3A_15 = tpu.matmul %get3A_14, %reduce_sum3A_3, %dot_general3A {dimension_numbers = #tpu.dot_dimension_numbers<[0], [0], [1], [1], [0, 1, 1, 1], [], []>, transpose_lhs_hint = false} : vector<5x5xf32>, vector<5x128xf32>, vector<5x128xf32> -> vector<5x128xf32>
    %broadcast_in_dim3A = arith.constant 0.000000e+00 : f32
    %broadcast_in_dim3A_16 = vector.broadcast %broadcast_in_dim3A : f32 to vector<1x128xf32>
    %slice3A = vector.extract_strided_slice %dot_general3A_15 {offsets = [0, 0], sizes = [1, 128], strides = [1, 1]} : vector<5x128xf32> to vector<1x128xf32>
    %get3A_17 = arith.constant 0 : index
    %get3A_18 = arith.constant 0 : index
    %get3A_19 = arith.constant 0 : index
    %get3A_20 = vector.load %arg4[%get3A_17, %get3A_18, %get3A_19] : memref<5x128x128xf32, #tpu.memory_space<vmem>>, vector<1x128x128xf32>
    %get3A_21 = vector.shape_cast %get3A_20 : vector<1x128x128xf32> to vector<128x128xf32>
    %dot_general3A_22 = arith.constant dense<0.000000e+00> : vector<1x128xf32>
    %dot_general3A_23 = tpu.matmul %slice3A, %get3A_21, %dot_general3A_22 {dimension_numbers = #tpu.dot_dimension_numbers<[1], [0], [0], [1], [0, 0, 1, 1], [], []>, transpose_lhs_hint = false} : vector<1x128xf32>, vector<128x128xf32>, vector<1x128xf32> -> vector<1x128xf32>
    %add3A = arith.addf %broadcast_in_dim3A_16, %dot_general3A_23 : vector<1x128xf32>
    %slice3A_24 = vector.extract_strided_slice %dot_general3A_15 {offsets = [1, 0], sizes = [1, 128], strides = [1, 1]} : vector<5x128xf32> to vector<1x128xf32>
    %get3A_25 = arith.constant 1 : index
    %get3A_26 = arith.constant 0 : index
    %get3A_27 = arith.constant 0 : index
    %get3A_28 = vector.load %arg4[%get3A_25, %get3A_26, %get3A_27] : memref<5x128x128xf32, #tpu.memory_space<vmem>>, vector<1x128x128xf32>
    %get3A_29 = vector.shape_cast %get3A_28 : vector<1x128x128xf32> to vector<128x128xf32>
    %dot_general3A_30 = arith.constant dense<0.000000e+00> : vector<1x128xf32>
    %dot_general3A_31 = tpu.matmul %slice3A_24, %get3A_29, %dot_general3A_30 {dimension_numbers = #tpu.dot_dimension_numbers<[1], [0], [0], [1], [0, 0, 1, 1], [], []>, transpose_lhs_hint = false} : vector<1x128xf32>, vector<128x128xf32>, vector<1x128xf32> -> vector<1x128xf32>
    %add3A_32 = arith.addf %add3A, %dot_general3A_31 : vector<1x128xf32>
    %slice3A_33 = vector.extract_strided_slice %dot_general3A_15 {offsets = [2, 0], sizes = [1, 128], strides = [1, 1]} : vector<5x128xf32> to vector<1x128xf32>
    %get3A_34 = arith.constant 2 : index
    %get3A_35 = arith.constant 0 : index
    %get3A_36 = arith.constant 0 : index
    %get3A_37 = vector.load %arg4[%get3A_34, %get3A_35, %get3A_36] : memref<5x128x128xf32, #tpu.memory_space<vmem>>, vector<1x128x128xf32>
    %get3A_38 = vector.shape_cast %get3A_37 : vector<1x128x128xf32> to vector<128x128xf32>
    %dot_general3A_39 = arith.constant dense<0.000000e+00> : vector<1x128xf32>
    %dot_general3A_40 = tpu.matmul %slice3A_33, %get3A_38, %dot_general3A_39 {dimension_numbers = #tpu.dot_dimension_numbers<[1], [0], [0], [1], [0, 0, 1, 1], [], []>, transpose_lhs_hint = false} : vector<1x128xf32>, vector<128x128xf32>, vector<1x128xf32> -> vector<1x128xf32>
    %add3A_41 = arith.addf %add3A_32, %dot_general3A_40 : vector<1x128xf32>
    %slice3A_42 = vector.extract_strided_slice %dot_general3A_15 {offsets = [3, 0], sizes = [1, 128], strides = [1, 1]} : vector<5x128xf32> to vector<1x128xf32>
    %get3A_43 = arith.constant 3 : index
    %get3A_44 = arith.constant 0 : index
    %get3A_45 = arith.constant 0 : index
    %get3A_46 = vector.load %arg4[%get3A_43, %get3A_44, %get3A_45] : memref<5x128x128xf32, #tpu.memory_space<vmem>>, vector<1x128x128xf32>
    %get3A_47 = vector.shape_cast %get3A_46 : vector<1x128x128xf32> to vector<128x128xf32>
    %dot_general3A_48 = arith.constant dense<0.000000e+00> : vector<1x128xf32>
    %dot_general3A_49 = tpu.matmul %slice3A_42, %get3A_47, %dot_general3A_48 {dimension_numbers = #tpu.dot_dimension_numbers<[1], [0], [0], [1], [0, 0, 1, 1], [], []>, transpose_lhs_hint = false} : vector<1x128xf32>, vector<128x128xf32>, vector<1x128xf32> -> vector<1x128xf32>
    %add3A_50 = arith.addf %add3A_41, %dot_general3A_49 : vector<1x128xf32>
    %slice3A_51 = vector.extract_strided_slice %dot_general3A_15 {offsets = [4, 0], sizes = [1, 128], strides = [1, 1]} : vector<5x128xf32> to vector<1x128xf32>
    %get3A_52 = arith.constant 4 : index
    %get3A_53 = arith.constant 0 : index
    %get3A_54 = arith.constant 0 : index
    %get3A_55 = vector.load %arg4[%get3A_52, %get3A_53, %get3A_54] : memref<5x128x128xf32, #tpu.memory_space<vmem>>, vector<1x128x128xf32>
    %get3A_56 = vector.shape_cast %get3A_55 : vector<1x128x128xf32> to vector<128x128xf32>
    %dot_general3A_57 = arith.constant dense<0.000000e+00> : vector<1x128xf32>
    %dot_general3A_58 = tpu.matmul %slice3A_51, %get3A_56, %dot_general3A_57 {dimension_numbers = #tpu.dot_dimension_numbers<[1], [0], [0], [1], [0, 0, 1, 1], [], []>, transpose_lhs_hint = false} : vector<1x128xf32>, vector<128x128xf32>, vector<1x128xf32> -> vector<1x128xf32>
    %add3A_59 = arith.addf %add3A_50, %dot_general3A_58 : vector<1x128xf32>
    %max3A = arith.constant 1.000000e+00 : f32
    %max3A_60 = arith.maximumf %reduce_sum3A_11, %max3A : f32
    %div3A = arith.constant 1.000000e+00 : f32
    %div3A_61 = arith.divf %div3A, %max3A_60 : f32
    %mul3A = vector.broadcast %div3A_61 : f32 to vector<1x128xf32>
    %mul3A_62 = arith.mulf %add3A_59, %mul3A : vector<1x128xf32>
    %get3A_63 = arith.constant 0 : index
    %get3A_64 = arith.constant 0 : index
    %get3A_65 = vector.load %arg7[%get3A_63, %get3A_64] : memref<8x128xf32, #tpu.memory_space<vmem>>, vector<1x128xf32>
    %get3A_66 = arith.constant 0 : index
    %get3A_67 = arith.constant 0 : index
    %get3A_68 = vector.load %arg5[%get3A_66, %get3A_67] : memref<128x128xf32, #tpu.memory_space<vmem>>, vector<128x128xf32>
    %dot_general3A_69 = arith.constant dense<0.000000e+00> : vector<1x128xf32>
    %dot_general3A_70 = tpu.matmul %get3A_65, %get3A_68, %dot_general3A_69 {dimension_numbers = #tpu.dot_dimension_numbers<[1], [0], [0], [1], [0, 0, 1, 1], [], []>, transpose_lhs_hint = false} : vector<1x128xf32>, vector<128x128xf32>, vector<1x128xf32> -> vector<1x128xf32>
    %add3A_71 = arith.addf %mul3A_62, %dot_general3A_70 : vector<1x128xf32>
    %get3A_72 = arith.constant 0 : index
    %get3A_73 = arith.constant 0 : index
    %get3A_74 = vector.load %arg6[%get3A_72, %get3A_73] : memref<1x128xf32, #tpu.memory_space<vmem>>, vector<1x128xf32>
    %add3A_75 = arith.addf %add3A_71, %get3A_74 : vector<1x128xf32>
    %max3A_76 = arith.constant 0.000000e+00 : f32
    %max3A_77 = vector.broadcast %max3A_76 : f32 to vector<1x128xf32>
    %max3A_78 = arith.maximumf %add3A_75, %max3A_77 : vector<1x128xf32>
    %get3A_79 = arith.constant 0 : index
    %get3A_80 = arith.constant 0 : index
    %get3A_81 = vector.load %arg8[%get3A_79, %get3A_80] : memref<128x7500xf32, #tpu.memory_space<vmem>>, vector<128x7500xf32>
    %dot_general3A_82 = arith.constant dense<0.000000e+00> : vector<1x7500xf32>
    %dot_general3A_83 = tpu.matmul %max3A_78, %get3A_81, %dot_general3A_82 {dimension_numbers = #tpu.dot_dimension_numbers<[1], [0], [0], [1], [0, 0, 1, 1], [], []>, transpose_lhs_hint = false} : vector<1x128xf32>, vector<128x7500xf32>, vector<1x7500xf32> -> vector<1x7500xf32>
    %get3A_84 = arith.constant 0 : index
    %get3A_85 = arith.constant 0 : index
    %get3A_86 = vector.load %arg9[%get3A_84, %get3A_85] : memref<1x7500xf32, #tpu.memory_space<vmem>>, vector<1x7500xf32>
    %add3A_87 = arith.addf %dot_general3A_83, %get3A_86 : vector<1x7500xf32>
    %get3A_88 = arith.constant 0 : index
    %get3A_89 = arith.constant 0 : index
    %get3A_90 = vector.load %arg10[%get3A_88, %get3A_89] : memref<128x2000xf32, #tpu.memory_space<vmem>>, vector<128x2000xf32>
    %dot_general3A_91 = arith.constant dense<0.000000e+00> : vector<1x2000xf32>
    %dot_general3A_92 = tpu.matmul %max3A_78, %get3A_90, %dot_general3A_91 {dimension_numbers = #tpu.dot_dimension_numbers<[1], [0], [0], [1], [0, 0, 1, 1], [], []>, transpose_lhs_hint = false} : vector<1x128xf32>, vector<128x2000xf32>, vector<1x2000xf32> -> vector<1x2000xf32>
    %get3A_93 = arith.constant 0 : index
    %get3A_94 = arith.constant 0 : index
    %get3A_95 = vector.load %arg11[%get3A_93, %get3A_94] : memref<1x2000xf32, #tpu.memory_space<vmem>>, vector<1x2000xf32>
    %add3A_96 = arith.addf %dot_general3A_92, %get3A_95 : vector<1x2000xf32>
    %reduce_max3A = vector.shape_cast %add3A_87 : vector<1x7500xf32> to vector<1x1x7500xf32>
    %reduce_max3A_97 = arith.constant dense<0xFF800000> : vector<1xf32>
    %reduce_max3A_98 = vector.multi_reduction <maximumf>, %reduce_max3A, %reduce_max3A_97 [1, 2] : vector<1x1x7500xf32> to vector<1xf32>
    %reduce_max3A_99 = vector.shape_cast %reduce_max3A_98 : vector<1xf32> to vector<1x1x1xf32>
    %reduce_max3A_100 = vector.extract %reduce_max3A_99[0, 0, 0] : f32 from vector<1x1x1xf32>
    %sub3A = vector.broadcast %reduce_max3A_100 : f32 to vector<1x7500xf32>
    %sub3A_101 = arith.subf %add3A_87, %sub3A : vector<1x7500xf32>
    %sub3A_102 = vector.broadcast %reduce_max3A_100 : f32 to vector<1x7500xf32>
    %sub3A_103 = arith.subf %add3A_87, %sub3A_102 : vector<1x7500xf32>
    %exp3A = math.exp %sub3A_103 : vector<1x7500xf32>
    %reduce_sum3A_104 = vector.shape_cast %exp3A : vector<1x7500xf32> to vector<1x1x7500xf32>
    %reduce_sum3A_105 = arith.constant dense<0.000000e+00> : vector<1xf32>
    %reduce_sum3A_106 = vector.multi_reduction <add>, %reduce_sum3A_104, %reduce_sum3A_105 [1, 2] : vector<1x1x7500xf32> to vector<1xf32>
    %reduce_sum3A_107 = vector.shape_cast %reduce_sum3A_106 : vector<1xf32> to vector<1x1x1xf32>
    %reduce_sum3A_108 = vector.extract %reduce_sum3A_107[0, 0, 0] : f32 from vector<1x1x1xf32>
    %log3A = math.log %reduce_sum3A_108 : f32
    %sub3A_109 = vector.broadcast %log3A : f32 to vector<1x7500xf32>
    %sub3A_110 = arith.subf %sub3A_101, %sub3A_109 : vector<1x7500xf32>
    %swap3A = arith.constant 0 : index
    %swap3A_111 = arith.constant 0 : index
    %swap3A_112 = vector.load %arg12[%swap3A, %swap3A_111] : memref<1x7500xf32, #tpu.memory_space<vmem>>, vector<1x7500xf32>
    tpu.vector_store %arg12[%swap3A, %swap3A_111], %sub3A_110 {strides = array<i32>} : memref<1x7500xf32, #tpu.memory_space<vmem>>, vector<1x7500xf32>,
    %reduce_max3A_113 = vector.shape_cast %add3A_96 : vector<1x2000xf32> to vector<1x1x2000xf32>
    %reduce_max3A_114 = arith.constant dense<0xFF800000> : vector<1xf32>
    %reduce_max3A_115 = vector.multi_reduction <maximumf>, %reduce_max3A_113, %reduce_max3A_114 [1, 2] : vector<1x1x2000xf32> to vector<1xf32>
    %reduce_max3A_116 = vector.shape_cast %reduce_max3A_115 : vector<1xf32> to vector<1x1x1xf32>
    %reduce_max3A_117 = vector.extract %reduce_max3A_116[0, 0, 0] : f32 from vector<1x1x1xf32>
    %sub3A_118 = vector.broadcast %reduce_max3A_117 : f32 to vector<1x2000xf32>
    %sub3A_119 = arith.subf %add3A_96, %sub3A_118 : vector<1x2000xf32>
    %sub3A_120 = vector.broadcast %reduce_max3A_117 : f32 to vector<1x2000xf32>
    %sub3A_121 = arith.subf %add3A_96, %sub3A_120 : vector<1x2000xf32>
    %exp3A_122 = math.exp %sub3A_121 : vector<1x2000xf32>
    %reduce_sum3A_123 = vector.shape_cast %exp3A_122 : vector<1x2000xf32> to vector<1x1x2000xf32>
    %reduce_sum3A_124 = arith.constant dense<0.000000e+00> : vector<1xf32>
    %reduce_sum3A_125 = vector.multi_reduction <add>, %reduce_sum3A_123, %reduce_sum3A_124 [1, 2] : vector<1x1x2000xf32> to vector<1xf32>
    %reduce_sum3A_126 = vector.shape_cast %reduce_sum3A_125 : vector<1xf32> to vector<1x1x1xf32>
    %reduce_sum3A_127 = vector.extract %reduce_sum3A_126[0, 0, 0] : f32 from vector<1x1x1xf32>
    %log3A_128 = math.log %reduce_sum3A_127 : f32
    %sub3A_129 = vector.broadcast %log3A_128 : f32 to vector<1x2000xf32>
    %sub3A_130 = arith.subf %sub3A_119, %sub3A_129 : vector<1x2000xf32>
    %swap3A_131 = arith.constant 0 : index
    %swap3A_132 = arith.constant 0 : index
    %swap3A_133 = vector.load %arg13[%swap3A_131, %swap3A_132] : memref<1x2000xf32, #tpu.memory_space<vmem>>, vector<1x2000xf32>
    tpu.vector_store %arg13[%swap3A_131, %swap3A_132], %sub3A_130 {strides = array<i32>} : memref<1x2000xf32, #tpu.memory_space<vmem>>, vector<1x2000xf32>,
    return
  }
  func.func @transform_0(%arg0: i32) -> (i32, i32, i32) {
    %c0_i32 = arith.constant 0 : i32
    %c0_i32_0 = arith.constant 0 : i32
    %c0_i32_1 = arith.constant 0 : i32
    %c0_i32_2 = arith.constant 0 : i32
    return %c0_i32, %c0_i32_0, %c0_i32_1 : i32, i32, i32
  }
  func.func @transform_1(%arg0: i32) -> (i32, i32) {
    %c0_i32 = arith.constant 0 : i32
    %c0_i32_0 = arith.constant 0 : i32
    %c0_i32_1 = arith.constant 0 : i32
    return %c0_i32, %c0_i32_0 : i32, i32
  }
  func.func @transform_2(%arg0: i32) -> (i32, i32) {
    %c0_i32 = arith.constant 0 : i32
    %c0_i32_0 = arith.constant 0 : i32
    %c0_i32_1 = arith.constant 0 : i32
    return %c0_i32, %c0_i32_0 : i32, i32
  }
  func.func @transform_3(%arg0: i32) -> (i32, i32, i32) {
    %c0_i32 = arith.constant 0 : i32
    %c0_i32_0 = arith.constant 0 : i32
    %c0_i32_1 = arith.constant 0 : i32
    %c0_i32_2 = arith.constant 0 : i32
    return %c0_i32, %c0_i32_0, %c0_i32_1 : i32, i32, i32
  }
  func.func @transform_4(%arg0: i32) -> (i32, i32) {
    %c0_i32 = arith.constant 0 : i32
    %c0_i32_0 = arith.constant 0 : i32
    %c0_i32_1 = arith.constant 0 : i32
    return %c0_i32, %c0_i32_0 : i32, i32
  }
  func.func @transform_5(%arg0: i32) -> (i32, i32) {
    %c0_i32 = arith.constant 0 : i32
    %c0_i32_0 = arith.constant 0 : i32
    %c0_i32_1 = arith.constant 0 : i32
    return %c0_i32, %c0_i32_0 : i32, i32
  }
  func.func @transform_6(%arg0: i32) -> (i32, i32) {
    %c0_i32 = arith.constant 0 : i32
    %c0_i32_0 = arith.constant 0 : i32
    %c0_i32_1 = arith.constant 0 : i32
    return %c0_i32, %c0_i32_0 : i32, i32
  }
  func.func @transform_7(%arg0: i32) -> (i32, i32) {
    %c0_i32 = arith.constant 0 : i32
    %c0_i32_0 = arith.constant 0 : i32
    %c0_i32_1 = arith.constant 0 : i32
    return %c0_i32, %c0_i32_0 : i32, i32
  }
  func.func @transform_8(%arg0: i32) -> (i32, i32) {
    %c0_i32 = arith.constant 0 : i32
    %c0_i32_0 = arith.constant 0 : i32
    %c0_i32_1 = arith.constant 0 : i32
    return %c0_i32, %c0_i32_0 : i32, i32
  }
  func.func @transform_9(%arg0: i32) -> (i32, i32) {
    %c0_i32 = arith.constant 0 : i32
    %c0_i32_0 = arith.constant 0 : i32
    %c0_i32_1 = arith.constant 0 : i32
    return %c0_i32, %c0_i32_0 : i32, i32
  }
  func.func @transform_10(%arg0: i32) -> (i32, i32) {
    %c0_i32 = arith.constant 0 : i32
    %c0_i32_0 = arith.constant 0 : i32
    %c0_i32_1 = arith.constant 0 : i32
    return %c0_i32, %c0_i32_0 : i32, i32
  }
  func.func @transform_11(%arg0: i32) -> (i32, i32) {
    %c0_i32 = arith.constant 0 : i32
    %c0_i32_0 = arith.constant 0 : i32
    %c0_i32_1 = arith.constant 0 : i32
    return %c0_i32, %c0_i32_0 : i32, i32
  }
  func.func @transform_12(%arg0: i32) -> (i32, i32) {
    %c0_i32 = arith.constant 0 : i32
    %c0_i32_0 = arith.constant 0 : i32
    %c0_i32_1 = arith.constant 0 : i32
    return %c0_i32, %c0_i32_0 : i32, i32
  }
}

</mosaic_0001>

<sc_bundles>
// kernel: kernel.4.cloned.1.call-start
scs
__scs_entry_jumppad:
0x0: {  	(pc) =	sbr.rel $0x88, $3  }
0x1: {  	(tag) =	ssettag $0x0;
	lr =	simm.s32 $0x1  }
0x2: {  	[smem:$0x3F96] =	sst lr;
	_ =	strace $0xD0000000  }
0x3: {  	_ = 	snop  }
0x4: {  	_ = 	snop  }
0x5: {  	_ = 	snop  }
0x6: {  	_ = 	snop  }
0x7: {  	_ = 	snop  }
__scs_overlays_trampoline_lowered:
0x8: {  	[smem:$0x3FA5] =	sst s0  }
0x9: {  	[smem:$0x3FA6] =	sst s1  }
0xa: {  	[smem:$0x3FA7] =	sst s2  }
0xb: {  	[smem:$0x3FA8] =	sst s3  }
0xc: {  	[smem:$0x3FA9] =	sst s4  }
0xd: {  	[smem:$0x3FAA] =	sst s5  }
0xe: {  	[smem:$0x3FAB] =	sst s6  }
0xf: {  	[smem:$0x3FAC] =	sst s7  }
0x10: {  	[smem:$0x3FAD] =	sst s8  }
0x11: {  	[smem:$0x3FAE] =	sst s9;
	s0 =	simm.s32 @!p0 $0x0  }
0x12: {  	s1 =	sld [smem:$0x3F94];
	s0 =	simm.s32 @p0 $0x1  }
0x13: {  	[smem:$0x3FAF] =	sst s0;
	s0 =	simm.s32 @!p1 $0x0  }
0x14: {  	s2 =	sld [smem:$0x3F93];
	s0 =	simm.s32 @p1 $0x1  }
0x15: {  	[smem:$0x3FB0] =	sst s0;
	s0 =	simm.s32 @!p2 $0x0  }
0x16: {  	s3 =	sld [smem:$0x3FDB];
	s0 =	simm.s32 @p2 $0x1  }
0x17: {  	s4 =	simm.s32 $0x1BF5;
	[smem:$0x3FB2] =	sst s0  }
0x18: {  	s0 =	sld [smem:$0x3F95];
	_ =	swait.ge [sflag:s4], $0x0  }
0x19: {  	s7 =	sld [smem:$0x3F96]  }
0x1a: {  	s8 =	sadd.s32 $0xFFFFE003, lr  }
0x1b: {  	s9 =	sadd.s32 $0xFFFFFEF7, lr;
	s5 =	simm.s32 $0xFFFFFFFF;
	p2 =	slt.u32 s8, $0xFFFFF086  }
0x1c: {  	p1 =	slt.u32 s9, $0xF7A;
	s5 =	simm.s32 @!p2 $0x0  }
0x1d: {  	s5 =	simm.s32 @p1 $0x1;
	p0 =	seq.s32 s7, s2  }
0x1e: {  	s7 =	smul.u32 @!p0 $0xF7A, s2;
	p2 =	seq.s32 @!p0 s5, $0x0  }
0x1f: {  	s9 =	smul.u32 $0xF7A, s1;
	s8 =	simm.s32 @!p0 $0x1BF5;
	p2 =	por !p2, p0  }
0x20: {  	[sflag:s8] =	ssyncset.s32 @!p0 $0xFFFFF086;
	s6 =	sadd.s32 @!p0 s3, s7;
	s7 =	simm.s32 @!p0 $0x108  }
0x21: {  	s3 =	sadd.s32 s3, s9;
	s6 =	sadd.s32 @!p0 $0x88, s6;
	s7 =	simm.s32 @p2 $0x1082  }
0x22: {  	[simem:s7], [sflag:s8] =	dma.local @!p0 [hbm:s6], $0xF7A  }
0x23: {  	s9 =	sor.u32 $0xD0000000, s2;
	s6 =	simm.s32 $0x108;
	_ =	swait.ge @!p0 [sflag:s8], $0x0  }
0x24: {  	s3 =	sadd.s32 $0x88, s3;
	s6 =	simm.s32 @!p1 $0x1082;
	[sflag:s4] =	ssyncset.s32 $0xFFFFF086  }
0x25: {  	[simem:s6], [sflag:s4] =	dma.local [hbm:s3], $0xF7A  }
0x26: {  	[smem:$0x3F96] =	sst s1;
	(tag) =	ssettag s2;
	_ =	strace s9  }
0x27: {  	s1 =	sld [smem:$0x3FA6]  }
0x28: {  	s2 =	sld [smem:$0x3FA7]  }
0x29: {  	s4 =	sld [smem:$0x3FA9]  }
0x2a: {  	p0 =	seq.s32 s5, $0x0;
	s5 =	sld [smem:$0x3FAA]  }
0x2b: {  	s6 =	sld [smem:$0x3FAB]  }
0x2c: {  	s7 =	sld [smem:$0x3FAC]  }
0x2d: {  	s3 =	simm.s32 $0x108;
	s8 =	sld [smem:$0x3FAD]  }
0x2e: {  	s3 =	simm.s32 @!p0 $0x1082;
	s9 =	sld [smem:$0x3FAE]  }
0x2f: {  	lr =	sadd.s32 s0, s3;
	s0 =	sld [smem:$0x3FA5]  }
0x30: {  	s3 =	sld [smem:$0x3FA8]  }
0x31: {  	[smem:$0x3FB1] =	sst s10  }
0x32: {  	s10 =	sld [smem:$0x3FAF];
	_ =	sdelay $0x3  }
0x33: {  	p0 =	seq.s32 s10, $0x1;
	s10 =	sld [smem:$0x3FB1];
	_ =	sdelay $0x3  }
0x34: {  	[smem:$0x3FB1] =	sst s10  }
0x35: {  	s10 =	sld [smem:$0x3FB0];
	_ =	sdelay $0x3  }
0x36: {  	p1 =	seq.s32 s10, $0x1;
	s10 =	sld [smem:$0x3FB1];
	_ =	sdelay $0x3  }
0x37: {  	[smem:$0x3FB1] =	sst s10  }
0x38: {  	s10 =	sld [smem:$0x3FB2]  }
0x39: {  	_ = 	snop;
	(pc) =	sbr.ind lr, $3  }
0x3a: {  	_ = 	snop  }
0x3b: {  	_ = 	snop  }
0x3c: {  	p2 =	seq.s32 s10, $0x1;
	s10 =	sld [smem:$0x3FB1]  }
0x3d: {  	_ =	shalt  }
0x3e: {  	_ =	shalt  }
0x3f: {  	_ =	shalt  }
0x40: {  	_ =	shalt  }
0x41: {  	_ =	shalt  }
0x42: {  	_ =	shalt  }
0x43: {  	_ =	shalt  }
0x44: {  	_ =	shalt  }
0x45: {  	_ =	shalt  }
0x46: {  	_ =	shalt  }
0x47: {  	_ =	shalt  }
0x48: {  	_ =	shalt  }
0x49: {  	_ =	shalt  }
0x4a: {  	_ =	shalt  }
0x4b: {  	_ =	shalt  }
0x4c: {  	_ =	shalt  }
0x4d: {  	_ =	shalt  }
0x4e: {  	_ =	shalt  }
0x4f: {  	_ =	shalt  }
0x50: {  	_ =	shalt  }
0x51: {  	_ =	shalt  }
0x52: {  	_ =	shalt  }
0x53: {  	_ =	shalt  }
0x54: {  	_ =	shalt  }
0x55: {  	_ =	shalt  }
0x56: {  	_ =	shalt  }
0x57: {  	_ =	shalt  }
0x58: {  	_ =	shalt  }
0x59: {  	_ =	shalt  }
0x5a: {  	_ =	shalt  }
0x5b: {  	_ =	shalt  }
0x5c: {  	_ =	shalt  }
0x5d: {  	_ =	shalt  }
0x5e: {  	_ =	shalt  }
0x5f: {  	_ =	shalt  }
0x60: {  	_ =	shalt  }
0x61: {  	_ =	shalt  }
0x62: {  	_ =	shalt  }
0x63: {  	_ =	shalt  }
0x64: {  	_ =	shalt  }
0x65: {  	_ =	shalt  }
0x66: {  	_ =	shalt  }
0x67: {  	_ =	shalt  }
0x68: {  	_ =	shalt  }
0x69: {  	_ =	shalt  }
0x6a: {  	_ =	shalt  }
0x6b: {  	_ =	shalt  }
0x6c: {  	_ =	shalt  }
0x6d: {  	_ =	shalt  }
0x6e: {  	_ =	shalt  }
0x6f: {  	_ =	shalt  }
0x70: {  	_ =	shalt  }
0x71: {  	_ =	shalt  }
0x72: {  	_ =	shalt  }
0x73: {  	_ =	shalt  }
0x74: {  	_ =	shalt  }
0x75: {  	_ =	shalt  }
0x76: {  	_ =	shalt  }
0x77: {  	_ =	shalt  }
0x78: {  	_ =	shalt  }
0x79: {  	_ =	shalt  }
0x7a: {  	_ =	shalt  }
0x7b: {  	_ =	shalt  }
0x7c: {  	_ =	shalt  }
0x7d: {  	_ =	shalt  }
0x7e: {  	_ =	shalt  }
0x7f: {  	_ =	shalt  }
0x80: {  	_ =	shalt  }
0x81: {  	_ =	shalt  }
0x82: {  	_ =	shalt  }
0x83: {  	_ =	shalt  }
0x84: {  	_ =	shalt  }
0x85: {  	_ =	shalt  }
0x86: {  	_ =	shalt  }
0x87: {  	_ =	shalt  }
.Lfunc_end0:
.L_simem_size_0:
called_computation_lowered:
.L_overlay_start_0:
0x88: {  	s2 =	sld [smem:$0x3FD9]  }
0x89: {  	s3 =	sld [smem:$0x3FFE];
	_ =	sdelay $0x1  }
0x8a: {  	s1 =	srdreg.scid  }
0x8b: {  	s0 =	sand.u32 $0x1, s1  }
0x8c: {  	s14 =	sshll.u32 s0, $0xA;
	s2 =	sadd.s32 s3, s2  }
0x8d: {  	s2 =	sadd.s32 s2, s14  }
0x8e: {  	[smem:$0x3FBD] =	sst s2  }
0x8f: {  	_ = 	snop  }
0x90: {  	s2 =	sld [smem:$0x3FD0];
	_ =	sdelay $0x1  }
0x91: {  	s15 =	sld [smem:$0x3FC9]  }
0x92: {  	s5 =	simm.s32 $0xA;
	s6 =	simm.s32 $0x10;
	s4 =	sld [smem:$0x3FBF]  }
0x93: {  	[smem:s6], [sflag:s5] =	dma.local [hbm:s2], $0x1  }
0x94: {  	_ =	swait.eq [sflag:s5], $0x1  }
0x95: {  	[sflag:s5] =	ssyncset.done $0x0  }
0x96: {  	s16 =	sld [smem:$0x10];
	[sflag:s5] =	ssyncadd.s32 $0xFFFFFFFF  }
0x97: {  	s17 =	sld [smem:$0x11];
	(tm) =	ssettm $0x1  }
0x98: {  	s18 =	sld [smem:$0x3FFB];
	_ =	sdelay $0x3  }
0x99: {  	_ =	strace s18  }
0x9a: {  	s6 =	sld [smem:$0x3FFC];
	_ =	sdelay $0x3  }
0x9b: {  	_ =	strace s6  }
0x9c: {  	s6 =	sld [smem:$0x3FFD];
	_ =	sdelay $0x3  }
0x9d: {  	_ =	strace s6  }
0x9e: {  	_ =	strace $0x8FFFFFFF  }
0x9f: {  	s19 =	sld [smem:$0x3FDB];
	_ =	sdelay $0x1  }
0xa0: {  	s7 =	simm.s32 $_scs_section_size  }
0xa1: {  	s8 =	simm.s32 $_size__tile_overlayer_lowered;
	s9 =	simm.s32 $_tile_overlayer_lowered  }
0xa2: {  	s22 =	simm.s32 $0x1BFF;
	s21 =	sshll.u32 s9, $0x1;
	s6 =	sadd.s32 s7, s19  }
0xa3: {  	s10 =	simm.s32 $0x0;
	s20 =	sshll.u32 s8, $0x1;
	s8 =	sadd.s32 s21, s6  }
0xa4: {  	[timem:s10], [sflag:s22] =	dma.local [hbm:s8], s20  }
0xa5: {  	_ =	swait.ge [sflag:s22], s20  }
0xa6: {  	s7 =	ssub.s32 $0x0, s20;
	[sflag:s22] =	ssyncset.done $0x0  }
0xa7: {  	[sflag:s22] =	ssyncadd.s32 s7;
	_ =	sdelay $0x1  }
0xa8: {  	s23 =	simm.s32 $0x1B8B  }
0xa9: {  	_ =	swait.ge [sflag:s23], $0x1  }
0xaa: {  	[sflag:s23] =	ssyncset.done $0x0  }
0xab: {  	s25 =	simm.s32 $0x1B8E;
	s24 =	sld [smem:$0x3FFE];
	[sflag:s23] =	ssyncadd.s32 $0xFFFFFFFF  }
0xac: {  	s26 =	simm.s32 $execute0_lowered;
	[smem:$0x3FD2] =	sst s25  }
0xad: {  	s8 =	sshll.u32 s26, $0x1;
	_ =	strace $0x80000046;
	[dreg:$0x1] =	wrdreg $0xFFFFFFFF  }
0xae: {  	s28 =	simm.s32 $_size_execute0_lowered;
	s6 =	sadd.s32 s6, s8;
	[dreg:$0x0] =	wrdreg $0x0  }
0xaf: {  	s8 =	sshll.u32 s28, $0x1;
	[dreg:$0x2] =	wrdreg s6  }
0xb0: {  	[dreg:$0x3] =	wrdreg s8  }
0xb1: {  	[dreg:$0x4] =	wrdreg $0xC0  }
0xb2: {  	_ =	task [dreg:s10], $0x5FFFF  }
0xb3: {  	[dreg:$0x1] =	wrdreg $0xFFFFFFFF  }
0xb4: {  	[dreg:$0x0] =	wrdreg $0x60  }
0xb5: {  	[dreg:$0x2] =	wrdreg s24  }
0xb6: {  	[dreg:$0x3] =	wrdreg s4  }
0xb7: {  	[dreg:$0x4] =	wrdreg s15  }
0xb8: {  	[dreg:$0x5] =	wrdreg s17  }
0xb9: {  	[dreg:$0x6] =	wrdreg s16  }
0xba: {  	[dreg:$0x7] =	wrdreg $0xD5000  }
0xbb: {  	[dreg:$0x8] =	wrdreg $0x9  }
0xbc: {  	_ =	task.clear_ibuf [dreg:s10], $0x9FFFF;
	_ =	strace $0x90000046  }
0xbd: {  	s29 =	simm.s32 $0x9;
	_ =	strace $0x80000048  }
0xbe: {  	_ =	swait.ge [sflag:s29], $0x1  }
0xbf: {  	[sflag:s29] =	ssyncadd.s32 $0xFFFFFFFF  }
0xc0: {  	_ =	strace $0x90000048  }
0xc1: {  	_ =	sfence  }
0xc2: {  	s30 =	sld [smem:$0x0];
	_ =	sdelay $0x2  }
0xc3: {  	s31 =	sshll.u32 s1, $0xD;
	s1 =	sshrl.u32 s1, $0x2  }
0xc4: {  	s3 =	sand.u32 $0x4000, s31;
	s1 =	sadd.s32 s1, s30  }
0xc5: {  	s0 =	sor.u32 s3, s0;
	s1 =	sshll.u32 s1, $0x11  }
0xc6: {  	s0 =	sor.u32 s1, s0  }
0xc7: {  	s0 =	sadd.s32 $0x8F2B, s0  }
0xc8: {  	[sflag:s0] =	ssyncadd.remote.s32 $0x1  }
0xc9: {  	_ =	sfence.sel $0xFFFF  }
0xca: {  	[dreg:$0x0] =	wrdreg $0xFFFFFFFF;
	(pc) =	sbr.abs _section_cstart, $3  }
0xcb: {  	[dreg:$0x1] =	wrdreg $0xFFFFFFFF  }
0xcc: {  	_ =	task.clear_ibuf [dreg:s10], $0x2FFFF;
	_ =	strace $0x9FFFFFFF  }
0xcd: {  	(tm) =	ssettm $0x7FFFFFFF  }
tec
execute0_lowered:
.L_overlay_start_1:
0x0: {  	(tag) =	ssettag $0x1  }
0x1: {  	s4 =	rddreg [dreg:$0x0]  }
0x2: {  	s6 =	rddreg [dreg:$0x1]  }
0x3: {  	s0 =	rddreg [dreg:$0x2]  }
0x4: {  	s8 =	rddreg [dreg:$0x3]  }
0x5: {  	s1 =	srdreg.scid;
	s9 =	rddreg [dreg:$0x4]  }
0x6: {  	s10 =	stileid.u32;
	s2 =	rddreg [dreg:$0x5]  }
0x7: {  	s3 =	simm.s32 $0x0;
	s15 =	simm.s32 $0xC580;
	s16 =	simm.s32 $0xC680  }
0x8: {  	s17 =	simm.s32 $0xC600;
	s18 =	simm.s32 $0x3;
	s19 =	simm.s32 $0xD280  }
0x9: {  	s20 =	simm.s32 $0x0;
	s7 =	sand.u32 $0x1, s1;
	s28 =	sshll.u32 s10, $0x1  }
0xa: {  	[smem:$0x7FF] =	sst s3;
	p0 =	sne.s32 s10, $0x0;
	s10 =	simm.s32 $0x2780  }
0xb: {  	s11 =	sor.u32 s7, s28;
	s29 =	ssub.s32 $0x2, s7;
	_ =	strace $0x80000047  }
0xc: {  	s31 =	sshll.u32 s7, $0x7;
	s5 =	smul.u32 $0x2710, s11;
	s30 =	sshrl.u32 s29, $0x1  }
.Ltmp0:
0xd: {  	s11 =	sshll.u32 s11, $0x4;
	s8 =	sadd.s32 s8, s31;
	(pc) =	sbr.rel .LBB2_1-.Ltmp0, $4  }
0xe: {  	s14 =	ssub.s32 s29, s30;
	s7 =	sadd.s32 s9, s11;
	s11 =	simm.s32 $0x4F00  }
0xf: {  	s12 =	sshrl.u32 s5, $0x3;
	s9 =	smax.u32 s14, $0x1;
	s14 =	simm.s32 $0x10  }
0x10: {  	s13 =	sadd.s32 s12, s4;
	s6 =	sadd.s32 s6, s12;
	s12 =	simm.s32 $0x2  }
0x11: {  	v0 =	vimm.f32 $0.0e+00;
	v1 =	vimm.s32 $0x0;
	v2 =	vimm.s32 $0x5;
	s4 =	sadd.s32 $0xC040, s13;
	s5 =	sadd.s32 $0x2400, s13;
	s13 =	simm.s32 $0x1  }
.LBB2_12:
0x12: {  	[sflag:s18] =	ssyncadd.s32 $0xFFFFF800  }
.LBB2_13:
0x13: {  	[hbm4b:s7+s3] =	stream.linear.scatter [tilespmem:s19], [sflag:$0x3], $0x80, $0x38;
	[tilespmem:$0xD530] =	vst v63  }
0x14: {  	_ =	swait.ge [sflag:s18], $0x80  }
0x15: {  	[sflag:s18] =	ssyncset.done $0x0  }
0x16: {  	s1 =	sshrl.u32 @!p0 s2, $0x3;
	s20 =	sadd.s32 $0x1, s20;
	[sflag:s18] =	ssyncadd.s32 $0xFFFFFF80  }
0x17: {  	s21 =	simm.s32 @!p0 $0x1C03;
	p1 =	sne.s32 s20, s9;
	[bflag:$0x0] =	sbarrier.arrive $0xFFFF  }
0x18: {  	[hbm:s8], [sflag:s21] =	dma.local @!p0 [spmem:s1], $0x60  }
.Ltmp1:
0x19: {  	_ = 	snop;
	(pc) =	sbr.rel @!p1 .LBB2_14-.Ltmp1, $4  }
0x1a: {  	s1 =	simm.s32 @!p0 $0x3  }
0x1b: {  	_ =	swait.ge @!p0 [sflag:s1], $0x60  }
0x1c: {  	[sflag:s1] =	ssyncset.done @!p0 $0x0  }
0x1d: {  	[sflag:s1] =	ssyncadd.s32 @!p0 $0xFFFFFFA0  }
.LBB2_1:
0x1e: {  	[tilespmem:s3], [sflag:$0x2] =	stream.linear.gather [hbm4b:s4+s3], $0x2710, $0x38;
	[tilespmem:$0xD530] =	vst v63  }
0x1f: {  	_ = 	snop  }
0x20: {  	[tilespmem:s10], [sflag:$0x2] =	stream.linear.gather [hbm4b:s5+s3], $0x2710, $0x38;
	[tilespmem:$0xD530] =	vst v63  }
0x21: {  	_ = 	snop  }
0x22: {  	[tilespmem:s11], [sflag:$0x2] =	stream.linear.gather [hbm4b:s6+s3], $0x2710, $0x38;
	[tilespmem:$0xD530] =	vst v63  }
0x23: {  	[tilespmem:$0xCE80] =	vst v0  }
0x24: {  	[tilespmem:$0xCE90] =	vst v0  }
0x25: {  	[tilespmem:$0xCEA0] =	vst v0  }
0x26: {  	[tilespmem:$0xCEB0] =	vst v0  }
0x27: {  	[tilespmem:$0xCEC0] =	vst v0  }
0x28: {  	[tilespmem:$0xCED0] =	vst v0  }
0x29: {  	[tilespmem:$0xCEE0] =	vst v0  }
0x2a: {  	[tilespmem:$0xCEF0] =	vst v0  }
0x2b: {  	[tilespmem:$0xCF00] =	vst v0  }
0x2c: {  	[tilespmem:$0xCF10] =	vst v0  }
0x2d: {  	[tilespmem:$0xCF20] =	vst v0  }
0x2e: {  	[tilespmem:$0xCF30] =	vst v0  }
0x2f: {  	[tilespmem:$0xCF40] =	vst v0  }
0x30: {  	[tilespmem:$0xCF50] =	vst v0  }
0x31: {  	[tilespmem:$0xCF60] =	vst v0  }
0x32: {  	[tilespmem:$0xCF70] =	vst v0  }
0x33: {  	[tilespmem:$0xCF80] =	vst v0  }
0x34: {  	[tilespmem:$0xCF90] =	vst v0  }
0x35: {  	[tilespmem:$0xCFA0] =	vst v0  }
0x36: {  	[tilespmem:$0xCFB0] =	vst v0  }
0x37: {  	[tilespmem:$0xCFC0] =	vst v0  }
0x38: {  	[tilespmem:$0xCFD0] =	vst v0  }
0x39: {  	[tilespmem:$0xCFE0] =	vst v0  }
0x3a: {  	[tilespmem:$0xCFF0] =	vst v0  }
0x3b: {  	[tilespmem:$0xD000] =	vst v0  }
0x3c: {  	[tilespmem:$0xD010] =	vst v0  }
0x3d: {  	[tilespmem:$0xD020] =	vst v0  }
0x3e: {  	[tilespmem:$0xD030] =	vst v0  }
0x3f: {  	[tilespmem:$0xD040] =	vst v0  }
0x40: {  	[tilespmem:$0xD050] =	vst v0  }
0x41: {  	[tilespmem:$0xD060] =	vst v0  }
0x42: {  	[tilespmem:$0xD070] =	vst v0  }
0x43: {  	[tilespmem:$0xD080] =	vst v0  }
0x44: {  	[tilespmem:$0xD090] =	vst v0  }
0x45: {  	[tilespmem:$0xD0A0] =	vst v0  }
0x46: {  	[tilespmem:$0xD0B0] =	vst v0  }
0x47: {  	[tilespmem:$0xD0C0] =	vst v0  }
0x48: {  	[tilespmem:$0xD0D0] =	vst v0  }
0x49: {  	[tilespmem:$0xD0E0] =	vst v0  }
0x4a: {  	[tilespmem:$0xD0F0] =	vst v0  }
0x4b: {  	[tilespmem:$0xD100] =	vst v0  }
0x4c: {  	[tilespmem:$0xD110] =	vst v0  }
0x4d: {  	[tilespmem:$0xD120] =	vst v0  }
0x4e: {  	[tilespmem:$0xD130] =	vst v0  }
0x4f: {  	[tilespmem:$0xD140] =	vst v0  }
0x50: {  	[tilespmem:$0xD150] =	vst v0  }
0x51: {  	[tilespmem:$0xD160] =	vst v0  }
0x52: {  	[tilespmem:$0xD170] =	vst v0  }
0x53: {  	s21 =	simm.s32 @!p0 $0xCE80;
	[tilespmem:$0xD280] =	vst v0  }
0x54: {  	[spmem:s2] =	stream.linear.scatter @!p0 [tilespmem:s21], [sflag:$0x3], $0x300, $0x38;
	[tilespmem:$0xD530] =	vst v63  }
0x55: {  	s21 =	simm.s32 @!p0 $0x3  }
0x56: {  	_ =	swait.ge @!p0 [sflag:s21], $0x300  }
0x57: {  	[sflag:s21] =	ssyncset.done @!p0 $0x0  }
0x58: {  	[sflag:s21] =	ssyncadd.s32 @!p0 $0xFFFFFD00  }
0x59: {  	[bflag:$0x0] =	sbarrier.arrive $0xFFFF  }
0x5a: {  	_ =	swait.ge [sflag:s12], $0x2710  }
0x5b: {  	[sflag:s12] =	ssyncset.done $0x0  }
0x5c: {  	[sflag:s12] =	ssyncadd.s32 $0xFFFFD8F0  }
0x5d: {  	_ =	swait.ge [sflag:s12], $0x2710  }
0x5e: {  	[sflag:s12] =	ssyncset.done $0x0  }
0x5f: {  	[sflag:s12] =	ssyncadd.s32 $0xFFFFD8F0  }
0x60: {  	_ =	swait.ge [sflag:s12], $0x2710  }
0x61: {  	[sflag:s12] =	ssyncset.done $0x0  }
0x62: {  	s28 =	simm.s32 $0x320;
	[sflag:s12] =	ssyncadd.s32 $0xFFFFD8F0  }
0x63: {  	v3 =	vld [tilespmem:s28+$0x190]  }
0x64: {  	v4 =	vld [tilespmem:s28+$0x1A0]  }
0x65: {  	v5 =	vld [tilespmem:s28+$0x1B0]  }
0x66: {  	v6 =	vld [tilespmem:s28+$0x1C0]  }
0x67: {  	v7 =	vld [tilespmem:s28+$0x1D0]  }
0x68: {  	v8 =	vld [tilespmem:s28+$0x1E0]  }
0x69: {  	s22 =	simm.s32 $0x4B0;
	v9 =	vld [tilespmem:s28+$0x1F0]  }
0x6a: {  	s22 =	sand.u32 $0x3FF0, s22;
	v10 =	vld [tilespmem:s28+$0x200]  }
0x6b: {  	v11 =	vld [tilespmem:s22+$0x80]  }
0x6c: {  	v12 =	vld [tilespmem:s28+$0x220]  }
0x6d: {  	v13 =	vld [tilespmem:s28+$0x230]  }
0x6e: {  	v14 =	vld [tilespmem:s28+$0x240]  }
0x6f: {  	v15 =	vld [tilespmem:s28+$0x250]  }
0x70: {  	v16 =	vld [tilespmem:s28+$0x260]  }
0x71: {  	v17 =	vld [tilespmem:s28+$0x270]  }
0x72: {  	v18 =	vld [tilespmem:s28+$0x280]  }
0x73: {  	v19 =	vld [tilespmem:s22+$0x100]  }
0x74: {  	v20 =	vld [tilespmem:s28+$0x2A0]  }
0x75: {  	v21 =	vld [tilespmem:s28+$0x2B0]  }
0x76: {  	v22 =	vld [tilespmem:s28+$0x2C0]  }
0x77: {  	v23 =	vld [tilespmem:s28+$0x2D0]  }
0x78: {  	v24 =	vld [tilespmem:s28+$0x2E0]  }
0x79: {  	v25 =	vld [tilespmem:s28+$0x2F0]  }
0x7a: {  	v26 =	vld [tilespmem:s28+$0x300]  }
0x7b: {  	v27 =	vld [tilespmem:s22+$0x180]  }
0x7c: {  	v28 =	vld [tilespmem:s28+$0xFFFFFCF0]  }
0x7d: {  	v29 =	vld [tilespmem:s28+$0xFFFFFE70]  }
0x7e: {  	v30 =	vld [tilespmem:s28+$0xFFFFFE80]  }
0x7f: {  	v31 =	vld [tilespmem:s28+$0x0]  }
0x80: {  	v32 =	vld [tilespmem:s28+$0x10]  }
0x81: {  	v33 =	vld [tilespmem:s28+$0xFFFFFCE0];
	vm0 =	veq.s32 v3, $0x0;
	vm1 =	veq.s32 v4, $0x0  }
0x82: {  	v54 =	vld [tilespmem:s28+$0xFFFFFD20];
	vm0 =	vmor vm0, vm1;
	vm1 =	veq.s32 v5, $0x0  }
0x83: {  	v55 =	vld [tilespmem:s28+$0xFFFFFEB0];
	vm0 =	vmor vm0, vm1;
	vm1 =	veq.s32 v6, $0x0  }
0x84: {  	v56 =	vld [tilespmem:s28+$0x40];
	vm0 =	vmor vm0, vm1;
	vm1 =	veq.s32 v7, $0x0  }
0x85: {  	v57 =	vld [tilespmem:s28+$0xFFFFFD30];
	vm0 =	vmor vm0, vm1;
	vm1 =	veq.s32 v8, $0x0  }
0x86: {  	v58 =	vld [tilespmem:s28+$0xFFFFFEC0];
	vm0 =	vmor vm0, vm1;
	vm1 =	veq.s32 v9, $0x0  }
0x87: {  	v59 =	vld [tilespmem:s28+$0x50];
	vm0 =	vmor vm0, vm1;
	vm1 =	veq.s32 v10, $0x0  }
0x88: {  	v60 =	vld [tilespmem:s28+$0xFFFFFD40];
	vm0 =	vmor vm0, vm1;
	vm1 =	veq.s32 v11, $0x0  }
0x89: {  	v61 =	vld [tilespmem:s28+$0xFFFFFED0];
	vm0 =	vmor vm0, vm1;
	vm1 =	veq.s32 v12, $0x0  }
0x8a: {  	v62 =	vld [tilespmem:s28+$0x60];
	vm0 =	vmor vm0, vm1;
	vm1 =	veq.s32 v13, $0x0  }
0x8b: {  	v63 =	vld [tilespmem:s28+$0xFFFFFD50];
	vm0 =	vmor vm0, vm1;
	vm1 =	veq.s32 v14, $0x0  }
0x8c: {  	s29 =	simm.s32 $0x190;
	v34 =	vld [tilespmem:s28+$0xFFFFFEE0];
	vm0 =	vmor vm0, vm1;
	vm1 =	veq.s32 v15, $0x0  }
0x8d: {  	s23 =	simm.s32 $0x320;
	s24 =	sand.u32 $0x3FD0, s29;
	v35 =	vld [tilespmem:s28+$0x70];
	vm0 =	vmor vm0, vm1;
	vm1 =	veq.s32 v16, $0x0  }
0x8e: {  	s30 =	sand.u32 $0x3FE0, s23;
	v36 =	vld [tilespmem:s24+$0x80];
	vm0 =	vmor vm0, vm1;
	vm1 =	veq.s32 v17, $0x0  }
0x8f: {  	s31 =	sand.u32 $0x3FC0, s3;
	v37 =	vld [tilespmem:s30+$0x80];
	vm0 =	vmor vm0, vm1;
	vm1 =	veq.s32 v18, $0x0  }
0x90: {  	v38 =	vld [tilespmem:s31+$0x80];
	vm0 =	vmor vm0, vm1;
	vm1 =	veq.s32 v19, $0x0  }
0x91: {  	v39 =	vld [tilespmem:s28+$0xFFFFFD70];
	vm0 =	vmor vm0, vm1;
	vm1 =	veq.s32 v20, $0x0  }
0x92: {  	v40 =	vld [tilespmem:s28+$0xFFFFFF00];
	vm0 =	vmor vm0, vm1;
	vm1 =	veq.s32 v21, $0x0  }
0x93: {  	v41 =	vld [tilespmem:s28+$0x90];
	vm0 =	vmor vm0, vm1;
	vm1 =	veq.s32 v22, $0x0  }
0x94: {  	v3 =	vld [tilespmem:s28+$0xFFFFFD00];
	vm0 =	vmor vm0, vm1;
	vm1 =	veq.s32 v23, $0x0  }
0x95: {  	v4 =	vld [tilespmem:s28+$0xFFFFFE90];
	vm0 =	vmor vm0, vm1;
	vm1 =	veq.s32 v24, $0x0  }
0x96: {  	vm2 =	veq.s32 v25, $0x0;
	v5 =	vld [tilespmem:s28+$0x20];
	vm0 =	vmor vm0, vm1  }
0x97: {  	vm3 =	veq.s32 v27, $0x0;
	v6 =	vld [tilespmem:s28+$0xFFFFFD10];
	vm1 =	veq.s32 v26, $0x0;
	vm0 =	vmor vm0, vm2  }
0x98: {  	vm4 =	veq.s32 v29, $0x0;
	vm5 =	veq.s32 v31, $0x0;
	v7 =	vld [tilespmem:s28+$0xFFFFFEA0];
	vm0 =	vmor vm0, vm1  }
0x99: {  	v8 =	vld [tilespmem:s28+$0x30];
	vm2 =	veq.s32 v28, $0x0;
	vm1 =	veq.s32 v30, $0x0;
	vm0 =	vmor vm0, vm3  }
0x9a: {  	v42 =	vld [tilespmem:s28+$0xFFFFFD80];
	vm3 =	veq.s32 v32, $0x0;
	vm1 =	vmor vm4, vm1;
	vm4 =	veq.s32 v33, $0x0  }
0x9b: {  	v43 =	vld [tilespmem:s28+$0xFFFFFF10];
	vm3 =	vmor vm5, vm3;
	vm2 =	vmor vm4, vm2;
	vm4 =	veq.s32 v4, $0x0  }
0x9c: {  	v44 =	vld [tilespmem:s28+$0xC0];
	vm5 =	veq.s32 v3, $0x0;
	vm1 =	vmor vm1, vm4;
	vm4 =	veq.s32 v5, $0x0  }
0x9d: {  	v45 =	vld [tilespmem:s28+$0xFFFFFDB0];
	vm2 =	vmor vm2, vm5;
	vm3 =	vmor vm3, vm4;
	vm4 =	veq.s32 v7, $0x0  }
0x9e: {  	v46 =	vld [tilespmem:s28+$0xFFFFFF40];
	vm5 =	veq.s32 v6, $0x0;
	vm1 =	vmor vm1, vm4;
	vm4 =	veq.s32 v8, $0x0  }
0x9f: {  	v47 =	vld [tilespmem:s28+$0xD0];
	vm2 =	vmor vm2, vm5;
	vm3 =	vmor vm3, vm4;
	vm4 =	veq.s32 v55, $0x0  }
0xa0: {  	v48 =	vld [tilespmem:s28+$0xFFFFFDC0];
	vm5 =	veq.s32 v54, $0x0;
	vm1 =	vmor vm1, vm4;
	vm4 =	veq.s32 v56, $0x0  }
0xa1: {  	v49 =	vld [tilespmem:s28+$0xFFFFFF50];
	vm2 =	vmor vm2, vm5;
	vm3 =	vmor vm3, vm4;
	vm4 =	veq.s32 v58, $0x0  }
0xa2: {  	v50 =	vld [tilespmem:s28+$0xE0];
	vm5 =	veq.s32 v57, $0x0;
	vm1 =	vmor vm1, vm4;
	vm4 =	veq.s32 v59, $0x0  }
0xa3: {  	v51 =	vld [tilespmem:s28+$0xFFFFFDD0];
	vm2 =	vmor vm2, vm5;
	vm3 =	vmor vm3, vm4;
	vm4 =	veq.s32 v61, $0x0  }
0xa4: {  	v52 =	vld [tilespmem:s28+$0xFFFFFF60];
	vm5 =	veq.s32 v60, $0x0;
	vm1 =	vmor vm1, vm4;
	vm4 =	veq.s32 v62, $0x0  }
0xa5: {  	v53 =	vld [tilespmem:s28+$0xF0];
	vm2 =	vmor vm2, vm5;
	vm3 =	vmor vm3, vm4;
	vm4 =	veq.s32 v34, $0x0  }
0xa6: {  	v3 =	vld [tilespmem:s28+$0xA0];
	vm5 =	veq.s32 v63, $0x0;
	vm1 =	vmor vm1, vm4;
	vm4 =	veq.s32 v35, $0x0  }
0xa7: {  	v4 =	vld [tilespmem:s28+$0xFFFFFD90];
	vm2 =	vmor vm2, vm5;
	vm5 =	veq.s32 v36, $0x0;
	vm3 =	vmor vm3, vm4  }
0xa8: {  	v5 =	vld [tilespmem:s28+$0xFFFFFF20];
	vm4 =	veq.s32 v37, $0x0;
	vm1 =	vmor vm1, vm5;
	vm5 =	veq.s32 v38, $0x0  }
0xa9: {  	v6 =	vld [tilespmem:s28+$0xB0];
	vm3 =	vmor vm3, vm4;
	vm4 =	veq.s32 v39, $0x0;
	vm2 =	vmor vm2, vm5  }
0xaa: {  	v8 =	vld [tilespmem:s28+$0xFFFFFF30];
	vm5 =	veq.s32 v40, $0x0;
	vm2 =	vmor vm2, vm4;
	vm4 =	veq.s32 v41, $0x0  }
0xab: {  	v7 =	vld [tilespmem:s28+$0xFFFFFDA0];
	vm1 =	vmor vm1, vm5;
	vm3 =	vmor vm3, vm4;
	vm4 =	veq.s32 v43, $0x0  }
0xac: {  	v54 =	vld [tilespmem:s24+$0x100];
	vm5 =	veq.s32 v42, $0x0;
	vm1 =	vmor vm1, vm4;
	vm4 =	veq.s32 v3, $0x0  }
0xad: {  	v57 =	vld [tilespmem:s28+$0xFFFFFE10];
	vm2 =	vmor vm2, vm5;
	vm3 =	vmor vm3, vm4;
	vm4 =	veq.s32 v5, $0x0  }
0xae: {  	v55 =	vld [tilespmem:s28+$0xFFFFFF90];
	vm5 =	veq.s32 v4, $0x0;
	vm1 =	vmor vm1, vm4;
	vm4 =	veq.s32 v6, $0x0  }
0xaf: {  	v60 =	vld [tilespmem:s28+$0xFFFFFE40];
	vm2 =	vmor vm2, vm5;
	vm3 =	vmor vm3, vm4;
	vm4 =	veq.s32 v8, $0x0  }
0xb0: {  	v56 =	vld [tilespmem:s28+$0x120];
	vm5 =	veq.s32 v7, $0x0;
	vm1 =	vmor vm1, vm4;
	vm4 =	veq.s32 v44, $0x0  }
0xb1: {  	v4 =	vld [tilespmem:s31+$0x100];
	vm2 =	vmor vm2, vm5;
	vm3 =	vmor vm3, vm4;
	vm4 =	veq.s32 v46, $0x0  }
0xb2: {  	v3 =	vld [tilespmem:s30+$0x100];
	vm5 =	veq.s32 v45, $0x0;
	vm1 =	vmor vm1, vm4;
	vm4 =	veq.s32 v47, $0x0  }
0xb3: {  	v7 =	vld [tilespmem:s28+$0x110];
	vm2 =	vmor vm2, vm5;
	vm3 =	vmor vm3, vm4;
	vm4 =	veq.s32 v49, $0x0  }
0xb4: {  	v5 =	vld [tilespmem:s28+$0xFFFFFDF0];
	vm5 =	veq.s32 v48, $0x0;
	vm1 =	vmor vm1, vm4;
	vm4 =	veq.s32 v50, $0x0  }
0xb5: {  	v6 =	vld [tilespmem:s28+$0xFFFFFF80];
	vm2 =	vmor vm2, vm5;
	vm3 =	vmor vm3, vm4;
	vm4 =	veq.s32 v52, $0x0  }
0xb6: {  	v8 =	vld [tilespmem:s28+$0xFFFFFE00];
	vm5 =	veq.s32 v51, $0x0;
	vm1 =	vmor vm1, vm4;
	vm4 =	veq.s32 v53, $0x0  }
0xb7: {  	v58 =	vld [tilespmem:s28+$0xFFFFFFA0];
	vm2 =	vmor vm2, vm5;
	vm5 =	veq.s32 v54, $0x0;
	vm3 =	vmor vm3, vm4  }
0xb8: {  	v59 =	vld [tilespmem:s28+$0x130];
	vm4 =	veq.s32 v3, $0x0;
	vm1 =	vmor vm1, vm5;
	vm5 =	veq.s32 v4, $0x0  }
0xb9: {  	v3 =	vld [tilespmem:s28+$0xFFFFFE20];
	vm3 =	vmor vm3, vm4;
	vm4 =	veq.s32 v5, $0x0;
	vm2 =	vmor vm2, vm5  }
0xba: {  	v4 =	vld [tilespmem:s28+$0xFFFFFFB0];
	vm5 =	veq.s32 v6, $0x0;
	vm2 =	vmor vm2, vm4  }
0xbb: {  	v5 =	vld [tilespmem:s28+$0x140];
	vm1 =	vmor vm1, vm5;
	vm4 =	veq.s32 v7, $0x0;
	vm5 =	veq.s32 v8, $0x0  }
0xbc: {  	v6 =	vld [tilespmem:s28+$0xFFFFFE30];
	vm3 =	vmor vm3, vm4;
	vm4 =	veq.s32 v55, $0x0;
	vm2 =	vmor vm2, vm5  }
0xbd: {  	v61 =	vld [tilespmem:s28+$0xFFFFFFD0];
	vm5 =	veq.s32 v57, $0x0;
	vm1 =	vmor vm1, vm4;
	vm4 =	veq.s32 v56, $0x0  }
0xbe: {  	v7 =	vld [tilespmem:s28+$0xFFFFFFC0];
	vm2 =	vmor vm2, vm5;
	vm3 =	vmor vm3, vm4;
	vm4 =	veq.s32 v58, $0x0  }
0xbf: {  	v8 =	vld [tilespmem:s28+$0x150];
	vm5 =	veq.s32 v3, $0x0;
	vm1 =	vmor vm1, vm4;
	vm4 =	veq.s32 v59, $0x0  }
0xc0: {  	v62 =	vld [tilespmem:s28+$0x160];
	vm2 =	vmor vm2, vm5;
	vm3 =	vmor vm3, vm4;
	vm4 =	veq.s32 v4, $0x0  }
0xc1: {  	v63 =	vld [tilespmem:s28+$0xFFFFFE50];
	vm5 =	veq.s32 v6, $0x0;
	vm1 =	vmor vm1, vm4;
	vm4 =	veq.s32 v5, $0x0  }
0xc2: {  	v3 =	vld [tilespmem:s28+$0xFFFFFFE0];
	vm2 =	vmor vm2, vm5;
	vm3 =	vmor vm3, vm4  }
0xc3: {  	v4 =	vld [tilespmem:s28+$0x170];
	vm4 =	veq.s32 v7, $0x0;
	v7 =	vsel vm0, $0x1, v1;
	vm0 =	veq.s32 v60, $0x0  }
0xc4: {  	v5 =	vld [tilespmem:s24+$0x180];
	vm1 =	vmor vm1, vm4;
	vm4 =	veq.s32 v8, $0x0;
	vm0 =	vmor vm2, vm0  }
0xc5: {  	s21 =	simm.s32 $0xD320;
	v6 =	vld [tilespmem:s30+$0x180];
	vm2 =	veq.s32 v62, $0x0;
	vm4 =	vmor vm3, vm4;
	vm3 =	veq.s32 v61, $0x0  }
0xc6: {  	s23 =	simm.s32 $0x960;
	s22 =	simm.s32 $0x0;
	s24 =	simm.s32 $0x0;
	[tilespmem:s21+$0x10] =	vst v7;
	v7 =	vld [tilespmem:s31+$0x180];
	vm1 =	vmor vm1, vm3;
	vm3 =	veq.s32 v63, $0x0;
	vm2 =	vmor vm4, vm2  }
.LBB2_2:
0xc7: {  	v8 =	vld [tilespmem:s23+$0x190];
	vm0 =	vmor vm0, vm3;
	vm3 =	veq.s32 v3, $0x0  }
0xc8: {  	s22 =	sadd.s32 $0x4, s22;
	v3 =	vld [tilespmem:s23+$0x1A0];
	vm1 =	vmor vm1, vm3;
	vm3 =	veq.s32 v4, $0x0  }
0xc9: {  	p1 =	slt.u32 s22, $0x14;
	v4 =	vld [tilespmem:s23+$0x1B0];
	vm4 =	veq.s32 v5, $0x0;
	vm2 =	vmor vm2, vm3  }
0xca: {  	v5 =	vld [tilespmem:s23+$0x1C0];
	vm1 =	vmor vm1, vm4;
	vm3 =	veq.s32 v6, $0x0  }
0xcb: {  	v6 =	vld [tilespmem:s23+$0x1D0];
	vm4 =	veq.s32 v7, $0x0;
	v7 =	vsel vm1, $0x1, v1;
	vm1 =	vmor vm2, vm3  }
0xcc: {  	s24 =	sadd.s32 $0x640, s24;
	v9 =	vld [tilespmem:s23+$0x1E0];
	vm0 =	vmor vm0, vm4;
	[tilespmem:s21+$0xFFFFFFF0] =	vst v7;
	v7 =	vsel vm1, $0x1, v1  }
0xcd: {  	s25 =	sadd.s32 $0x190, s24;
	s28 =	sadd.s32 $0x320, s24;
	s29 =	sadd.s32 $0x4B0, s24;
	vm1 =	veq.s32 v8, $0x0;
	vm2 =	veq.s32 v3, $0x0;
	v3 =	vld [tilespmem:s23+$0x1F0];
	v8 =	vsel vm0, $0x1, v1;
	[tilespmem:s21+$0x0] =	vst v7  }
0xce: {  	s26 =	sand.u32 $0x3FD0, s25;
	s25 =	sand.u32 $0x3FE0, s28;
	s29 =	sand.u32 $0x3FF0, s29;
	vm0 =	vmor vm1, vm2;
	vm1 =	veq.s32 v4, $0x0;
	v4 =	vld [tilespmem:s23+$0x200];
	[tilespmem:s21+$0xFFFFFFE0] =	vst v8  }
0xcf: {  	s28 =	sand.u32 $0x3FC0, s24;
	vm0 =	vmor vm0, vm1;
	vm1 =	veq.s32 v5, $0x0;
	v5 =	vld [tilespmem:s29+$0x80]  }
0xd0: {  	vm0 =	vmor vm0, vm1;
	vm1 =	veq.s32 v6, $0x0;
	v6 =	vld [tilespmem:s23+$0x220]  }
0xd1: {  	vm0 =	vmor vm0, vm1;
	vm1 =	veq.s32 v9, $0x0;
	v7 =	vld [tilespmem:s23+$0x230]  }
0xd2: {  	vm0 =	vmor vm0, vm1;
	vm1 =	veq.s32 v3, $0x0;
	v3 =	vld [tilespmem:s23+$0x240]  }
0xd3: {  	vm0 =	vmor vm0, vm1;
	vm1 =	veq.s32 v4, $0x0;
	v4 =	vld [tilespmem:s23+$0x250]  }
0xd4: {  	vm0 =	vmor vm0, vm1;
	vm1 =	veq.s32 v5, $0x0;
	v5 =	vld [tilespmem:s23+$0x260]  }
0xd5: {  	vm0 =	vmor vm0, vm1;
	vm1 =	veq.s32 v6, $0x0;
	v6 =	vld [tilespmem:s23+$0x270]  }
0xd6: {  	vm0 =	vmor vm0, vm1;
	vm1 =	veq.s32 v7, $0x0;
	v7 =	vld [tilespmem:s23+$0x280]  }
0xd7: {  	vm0 =	vmor vm0, vm1;
	vm1 =	veq.s32 v3, $0x0;
	v3 =	vld [tilespmem:s29+$0x100]  }
0xd8: {  	vm0 =	vmor vm0, vm1;
	vm1 =	veq.s32 v4, $0x0;
	v4 =	vld [tilespmem:s23+$0x2A0]  }
0xd9: {  	vm0 =	vmor vm0, vm1;
	vm1 =	veq.s32 v5, $0x0;
	v5 =	vld [tilespmem:s23+$0x2B0]  }
0xda: {  	vm0 =	vmor vm0, vm1;
	vm1 =	veq.s32 v6, $0x0;
	v6 =	vld [tilespmem:s23+$0x2C0]  }
0xdb: {  	vm0 =	vmor vm0, vm1;
	vm1 =	veq.s32 v7, $0x0;
	v7 =	vld [tilespmem:s23+$0x2D0]  }
0xdc: {  	vm0 =	vmor vm0, vm1;
	vm1 =	veq.s32 v3, $0x0;
	v3 =	vld [tilespmem:s23+$0x2E0]  }
0xdd: {  	vm0 =	vmor vm0, vm1;
	vm1 =	veq.s32 v4, $0x0;
	v4 =	vld [tilespmem:s23+$0x2F0]  }
0xde: {  	vm0 =	vmor vm0, vm1;
	vm1 =	veq.s32 v5, $0x0;
	v5 =	vld [tilespmem:s23+$0x300]  }
0xdf: {  	vm0 =	vmor vm0, vm1;
	vm1 =	veq.s32 v6, $0x0;
	v6 =	vld [tilespmem:s29+$0x180]  }
0xe0: {  	v8 =	vld [tilespmem:s23+$0xFFFFFCF0];
	vm0 =	vmor vm0, vm1;
	vm1 =	veq.s32 v7, $0x0  }
0xe1: {  	v7 =	vld [tilespmem:s23+$0xFFFFFE70];
	vm0 =	vmor vm0, vm1;
	vm1 =	veq.s32 v3, $0x0  }
0xe2: {  	v3 =	vld [tilespmem:s23+$0xFFFFFE80];
	vm0 =	vmor vm0, vm1;
	vm1 =	veq.s32 v4, $0x0  }
0xe3: {  	v4 =	vld [tilespmem:s23+$0x0];
	vm0 =	vmor vm0, vm1;
	vm1 =	veq.s32 v5, $0x0  }
0xe4: {  	v5 =	vld [tilespmem:s23+$0x10];
	vm0 =	vmor vm0, vm1;
	vm1 =	veq.s32 v6, $0x0  }
0xe5: {  	v6 =	vld [tilespmem:s23+$0xFFFFFCE0];
	vm2 =	veq.s32 v8, $0x0;
	vm0 =	vmor vm0, vm1  }
0xe6: {  	s21 =	sadd.s32 $0x40, s21;
	v8 =	vld [tilespmem:s23+$0xFFFFFD00];
	vm1 =	veq.s32 v7, $0x0;
	v7 =	vsel vm0, $0x1, v1  }
0xe7: {  	vm0 =	veq.s32 v3, $0x0;
	v3 =	vld [tilespmem:s23+$0xFFFFFE90];
	[tilespmem:s21+$0x10] =	vst v7  }
0xe8: {  	vm0 =	vmor vm1, vm0;
	vm1 =	veq.s32 v4, $0x0;
	v4 =	vld [tilespmem:s23+$0x20]  }
0xe9: {  	v7 =	vld [tilespmem:s23+$0xFFFFFD10];
	vm3 =	veq.s32 v5, $0x0  }
0xea: {  	vm4 =	veq.s32 v6, $0x0;
	v5 =	vld [tilespmem:s23+$0xFFFFFEA0];
	vm1 =	vmor vm1, vm3  }
0xeb: {  	vm2 =	vmor vm4, vm2;
	vm3 =	veq.s32 v8, $0x0;
	v6 =	vld [tilespmem:s23+$0x30]  }
0xec: {  	vm2 =	vmor vm2, vm3;
	v8 =	vld [tilespmem:s23+$0xFFFFFD20];
	vm3 =	veq.s32 v3, $0x0  }
0xed: {  	vm0 =	vmor vm0, vm3;
	v3 =	vld [tilespmem:s23+$0xFFFFFEB0];
	vm3 =	veq.s32 v4, $0x0  }
0xee: {  	vm4 =	veq.s32 v7, $0x0;
	vm1 =	vmor vm1, vm3;
	v4 =	vld [tilespmem:s23+$0x40]  }
0xef: {  	vm2 =	vmor vm2, vm4;
	v7 =	vld [tilespmem:s23+$0xFFFFFD30];
	vm3 =	veq.s32 v5, $0x0  }
0xf0: {  	vm0 =	vmor vm0, vm3;
	v5 =	vld [tilespmem:s23+$0xFFFFFEC0];
	vm3 =	veq.s32 v6, $0x0  }
0xf1: {  	vm4 =	veq.s32 v8, $0x0;
	vm1 =	vmor vm1, vm3;
	v6 =	vld [tilespmem:s23+$0x50]  }
0xf2: {  	vm2 =	vmor vm2, vm4;
	v8 =	vld [tilespmem:s23+$0xFFFFFD40];
	vm3 =	veq.s32 v3, $0x0  }
0xf3: {  	vm0 =	vmor vm0, vm3;
	v3 =	vld [tilespmem:s23+$0xFFFFFED0];
	vm3 =	veq.s32 v4, $0x0  }
0xf4: {  	vm4 =	veq.s32 v7, $0x0;
	vm1 =	vmor vm1, vm3;
	v4 =	vld [tilespmem:s23+$0x60]  }
0xf5: {  	vm2 =	vmor vm2, vm4;
	v7 =	vld [tilespmem:s23+$0xFFFFFD50];
	vm3 =	veq.s32 v5, $0x0  }
0xf6: {  	vm0 =	vmor vm0, vm3;
	v5 =	vld [tilespmem:s23+$0xFFFFFEE0];
	vm3 =	veq.s32 v6, $0x0  }
0xf7: {  	vm4 =	veq.s32 v8, $0x0;
	vm1 =	vmor vm1, vm3;
	v6 =	vld [tilespmem:s23+$0x70]  }
0xf8: {  	vm2 =	vmor vm2, vm4;
	vm3 =	veq.s32 v3, $0x0;
	v3 =	vld [tilespmem:s26+$0x80]  }
0xf9: {  	vm0 =	vmor vm0, vm3;
	vm3 =	veq.s32 v4, $0x0;
	v4 =	vld [tilespmem:s25+$0x80]  }
0xfa: {  	vm4 =	veq.s32 v7, $0x0;
	v7 =	vld [tilespmem:s28+$0x80];
	vm1 =	vmor vm1, vm3  }
0xfb: {  	vm2 =	vmor vm2, vm4;
	v8 =	vld [tilespmem:s23+$0xFFFFFD70];
	vm3 =	veq.s32 v5, $0x0  }
0xfc: {  	vm0 =	vmor vm0, vm3;
	v5 =	vld [tilespmem:s23+$0xFFFFFF00];
	vm3 =	veq.s32 v6, $0x0  }
0xfd: {  	vm4 =	veq.s32 v3, $0x0;
	vm1 =	vmor vm1, vm3;
	v3 =	vld [tilespmem:s23+$0x90]  }
0xfe: {  	v6 =	vld [tilespmem:s23+$0xFFFFFD80];
	vm0 =	vmor vm0, vm4;
	vm3 =	veq.s32 v4, $0x0  }
0xff: {  	vm4 =	veq.s32 v7, $0x0;
	v4 =	vld [tilespmem:s23+$0xFFFFFF10];
	vm1 =	vmor vm1, vm3  }
0x100: {  	vm2 =	vmor vm2, vm4;
	vm3 =	veq.s32 v8, $0x0;
	v7 =	vld [tilespmem:s23+$0xA0]  }
0x101: {  	vm2 =	vmor vm2, vm3;
	v8 =	vld [tilespmem:s23+$0xFFFFFD90];
	vm3 =	veq.s32 v5, $0x0  }
0x102: {  	vm0 =	vmor vm0, vm3;
	v5 =	vld [tilespmem:s23+$0xFFFFFF20];
	vm3 =	veq.s32 v3, $0x0  }
0x103: {  	vm4 =	veq.s32 v6, $0x0;
	vm1 =	vmor vm1, vm3;
	v3 =	vld [tilespmem:s23+$0xB0]  }
0x104: {  	vm2 =	vmor vm2, vm4;
	v6 =	vld [tilespmem:s23+$0xFFFFFDA0];
	vm3 =	veq.s32 v4, $0x0  }
0x105: {  	vm0 =	vmor vm0, vm3;
	v4 =	vld [tilespmem:s23+$0xFFFFFF30];
	vm3 =	veq.s32 v7, $0x0  }
0x106: {  	vm4 =	veq.s32 v8, $0x0;
	vm1 =	vmor vm1, vm3;
	v7 =	vld [tilespmem:s23+$0xC0]  }
0x107: {  	vm2 =	vmor vm2, vm4;
	v8 =	vld [tilespmem:s23+$0xFFFFFDB0];
	vm3 =	veq.s32 v5, $0x0  }
0x108: {  	vm0 =	vmor vm0, vm3;
	v5 =	vld [tilespmem:s23+$0xFFFFFF40];
	vm3 =	veq.s32 v3, $0x0  }
0x109: {  	vm4 =	veq.s32 v6, $0x0;
	vm1 =	vmor vm1, vm3;
	v3 =	vld [tilespmem:s23+$0xD0]  }
0x10a: {  	vm2 =	vmor vm2, vm4;
	v6 =	vld [tilespmem:s23+$0xFFFFFDC0];
	vm3 =	veq.s32 v4, $0x0  }
0x10b: {  	vm0 =	vmor vm0, vm3;
	v4 =	vld [tilespmem:s23+$0xFFFFFF50];
	vm3 =	veq.s32 v7, $0x0  }
0x10c: {  	vm4 =	veq.s32 v8, $0x0;
	vm1 =	vmor vm1, vm3;
	v7 =	vld [tilespmem:s23+$0xE0]  }
0x10d: {  	vm2 =	vmor vm2, vm4;
	v8 =	vld [tilespmem:s23+$0xFFFFFDD0];
	vm3 =	veq.s32 v5, $0x0  }
0x10e: {  	vm0 =	vmor vm0, vm3;
	v5 =	vld [tilespmem:s23+$0xFFFFFF60];
	vm3 =	veq.s32 v3, $0x0  }
0x10f: {  	vm4 =	veq.s32 v6, $0x0;
	vm1 =	vmor vm1, vm3;
	v3 =	vld [tilespmem:s23+$0xF0]  }
0x110: {  	vm2 =	vmor vm2, vm4;
	vm3 =	veq.s32 v4, $0x0;
	v4 =	vld [tilespmem:s26+$0x100]  }
0x111: {  	vm0 =	vmor vm0, vm3;
	vm3 =	veq.s32 v7, $0x0;
	v6 =	vld [tilespmem:s25+$0x100]  }
0x112: {  	vm4 =	veq.s32 v8, $0x0;
	v7 =	vld [tilespmem:s28+$0x100];
	vm1 =	vmor vm1, vm3  }
0x113: {  	vm2 =	vmor vm2, vm4;
	v8 =	vld [tilespmem:s23+$0xFFFFFDF0];
	vm3 =	veq.s32 v5, $0x0  }
0x114: {  	vm0 =	vmor vm0, vm3;
	v5 =	vld [tilespmem:s23+$0xFFFFFF80];
	vm3 =	veq.s32 v3, $0x0  }
0x115: {  	vm4 =	veq.s32 v4, $0x0;
	vm1 =	vmor vm1, vm3;
	v3 =	vld [tilespmem:s23+$0x110]  }
0x116: {  	v4 =	vld [tilespmem:s23+$0xFFFFFE00];
	vm0 =	vmor vm0, vm4;
	vm3 =	veq.s32 v6, $0x0  }
0x117: {  	vm4 =	veq.s32 v7, $0x0;
	v6 =	vld [tilespmem:s23+$0xFFFFFF90];
	vm1 =	vmor vm1, vm3  }
0x118: {  	vm2 =	vmor vm2, vm4;
	vm3 =	veq.s32 v8, $0x0;
	v7 =	vld [tilespmem:s23+$0x120]  }
0x119: {  	vm2 =	vmor vm2, vm3;
	v8 =	vld [tilespmem:s23+$0xFFFFFE10];
	vm3 =	veq.s32 v5, $0x0  }
0x11a: {  	vm0 =	vmor vm0, vm3;
	v5 =	vld [tilespmem:s23+$0xFFFFFFA0];
	vm3 =	veq.s32 v3, $0x0  }
0x11b: {  	vm4 =	veq.s32 v4, $0x0;
	vm1 =	vmor vm1, vm3;
	v3 =	vld [tilespmem:s23+$0x130]  }
0x11c: {  	vm2 =	vmor vm2, vm4;
	v4 =	vld [tilespmem:s23+$0xFFFFFE20];
	vm3 =	veq.s32 v6, $0x0  }
0x11d: {  	vm0 =	vmor vm0, vm3;
	v6 =	vld [tilespmem:s23+$0xFFFFFFB0];
	vm3 =	veq.s32 v7, $0x0  }
0x11e: {  	vm4 =	veq.s32 v8, $0x0;
	vm1 =	vmor vm1, vm3;
	v7 =	vld [tilespmem:s23+$0x140]  }
0x11f: {  	vm2 =	vmor vm2, vm4;
	v8 =	vld [tilespmem:s23+$0xFFFFFE30];
	vm3 =	veq.s32 v5, $0x0  }
0x120: {  	vm0 =	vmor vm0, vm3;
	v5 =	vld [tilespmem:s23+$0xFFFFFFC0];
	vm3 =	veq.s32 v3, $0x0  }
0x121: {  	vm4 =	veq.s32 v4, $0x0;
	vm1 =	vmor vm1, vm3;
	v4 =	vld [tilespmem:s23+$0x150]  }
0x122: {  	vm2 =	vmor vm2, vm4;
	v9 =	vld [tilespmem:s23+$0xFFFFFE40];
	vm3 =	veq.s32 v6, $0x0  }
0x123: {  	vm0 =	vmor vm0, vm3;
	v6 =	vld [tilespmem:s23+$0xFFFFFFD0];
	vm3 =	veq.s32 v7, $0x0  }
0x124: {  	vm4 =	veq.s32 v8, $0x0;
	vm1 =	vmor vm1, vm3;
	v7 =	vld [tilespmem:s23+$0x160]  }
0x125: {  	vm2 =	vmor vm2, vm4;
	v8 =	vld [tilespmem:s23+$0xFFFFFE50];
	vm3 =	veq.s32 v5, $0x0  }
.Ltmp2:
0x126: {  	vm3 =	vmor vm0, vm3;
	v3 =	vld [tilespmem:s23+$0xFFFFFFE0];
	vm0 =	veq.s32 v4, $0x0;
	(pc) =	sbr.rel @p1 .LBB2_2-.Ltmp2, $4  }
0x127: {  	vm4 =	veq.s32 v9, $0x0;
	vm5 =	vmor vm1, vm0;
	v4 =	vld [tilespmem:s23+$0x170]  }
0x128: {  	vm0 =	vmor vm2, vm4;
	vm1 =	veq.s32 v6, $0x0;
	v5 =	vld [tilespmem:s26+$0x180]  }
0x129: {  	vm1 =	vmor vm3, vm1;
	vm2 =	veq.s32 v7, $0x0;
	v6 =	vld [tilespmem:s25+$0x180]  }
0x12a: {  	s23 =	sadd.s32 $0x640, s23;
	vm3 =	veq.s32 v8, $0x0;
	v7 =	vld [tilespmem:s28+$0x180];
	vm2 =	vmor vm5, vm2  }
0x12b: {  	_ = 	snop  }
0x12c: {  	vm0 =	vmor vm0, vm3;
	vm10 =	veq.s32 v3, $0x0  }
0x12d: {  	vm1 =	vmor vm1, vm10;
	vm11 =	veq.s32 v4, $0x0;
	vm4 =	veq.s32 v5, $0x0  }
0x12e: {  	vm2 =	vmor vm2, vm11;
	vm1 =	vmor vm1, vm4;
	vm12 =	veq.s32 v6, $0x0  }
0x12f: {  	vm13 =	veq.s32 v7, $0x0;
	v3 =	vsel vm1, $0x1, v1;
	vm14 =	vmor vm2, vm12  }
0x130: {  	vm0 =	vmor vm0, vm13;
	[tilespmem:s21+$0xFFFFFFF0] =	vst v3;
	v3 =	vsel vm14, $0x1, v1  }
0x131: {  	v45 =	vsel vm0, $0x1, v1;
	[tilespmem:s21+$0x0] =	vst v3  }
0x132: {  	[tilespmem:s21+$0xFFFFFFE0] =	vst v45  }
0x133: {  	v3 =	vld [tilespmem:$0x2580]  }
0x134: {  	v4 =	vld [tilespmem:$0x2590]  }
0x135: {  	v46 =	vld [tilespmem:$0x25A0]  }
0x136: {  	v47 =	vld [tilespmem:$0x25B0]  }
0x137: {  	v48 =	vld [tilespmem:$0x25C0]  }
0x138: {  	v8 =	vld [tilespmem:$0x25D0]  }
0x139: {  	vm15 =	veq.s32 v3, $0x0;
	vm4 =	veq.s32 v4, $0x0;
	v3 =	vld [tilespmem:$0x25E0]  }
0x13a: {  	v49 =	vld [tilespmem:$0x25F0];
	vm5 =	veq.s32 v46, $0x0;
	vm0 =	vmor vm15, vm4  }
0x13b: {  	v50 =	vld [tilespmem:$0x2600];
	vm6 =	veq.s32 v47, $0x0;
	vm0 =	vmor vm0, vm5  }
0x13c: {  	v51 =	vld [tilespmem:$0x2610];
	vm7 =	veq.s32 v48, $0x0;
	vm0 =	vmor vm0, vm6  }
0x13d: {  	v52 =	vld [tilespmem:$0x2620];
	vm8 =	veq.s32 v8, $0x0;
	vm0 =	vmor vm0, vm7  }
0x13e: {  	vm0 =	vmor vm0, vm8;
	vm9 =	veq.s32 v3, $0x0;
	v3 =	vld [tilespmem:$0x2630]  }
0x13f: {  	v53 =	vld [tilespmem:$0x2640];
	vm10 =	veq.s32 v49, $0x0;
	vm0 =	vmor vm0, vm9  }
0x140: {  	v54 =	vld [tilespmem:$0x2650];
	vm11 =	veq.s32 v50, $0x0;
	vm0 =	vmor vm0, vm10  }
0x141: {  	v55 =	vld [tilespmem:$0x2660];
	vm12 =	veq.s32 v51, $0x0;
	vm0 =	vmor vm0, vm11  }
0x142: {  	v56 =	vld [tilespmem:$0x2670];
	vm13 =	veq.s32 v52, $0x0;
	vm0 =	vmor vm0, vm12  }
0x143: {  	vm0 =	vmor vm0, vm13;
	vm14 =	veq.s32 v3, $0x0;
	v3 =	vld [tilespmem:$0x2680]  }
0x144: {  	v57 =	vld [tilespmem:$0x2690];
	vm15 =	veq.s32 v53, $0x0;
	vm0 =	vmor vm0, vm14  }
0x145: {  	v58 =	vld [tilespmem:$0x26A0];
	vm4 =	veq.s32 v54, $0x0;
	vm0 =	vmor vm0, vm15  }
0x146: {  	v59 =	vld [tilespmem:$0x26B0];
	vm5 =	veq.s32 v55, $0x0;
	vm0 =	vmor vm0, vm4  }
0x147: {  	v60 =	vld [tilespmem:$0x26C0];
	vm6 =	veq.s32 v56, $0x0;
	vm0 =	vmor vm0, vm5  }
0x148: {  	vm0 =	vmor vm0, vm6;
	vm7 =	veq.s32 v3, $0x0;
	v3 =	vld [tilespmem:$0x26D0]  }
0x149: {  	v61 =	vld [tilespmem:$0x26E0];
	vm8 =	veq.s32 v57, $0x0;
	vm0 =	vmor vm0, vm7  }
0x14a: {  	v62 =	vld [tilespmem:$0x26F0];
	vm9 =	veq.s32 v58, $0x0;
	vm0 =	vmor vm0, vm8  }
0x14b: {  	v63 =	vld [tilespmem:$0x2700];
	vm10 =	veq.s32 v59, $0x0;
	vm0 =	vmor vm0, vm9  }
0x14c: {  	vm11 =	veq.s32 v60, $0x0;
	vm0 =	vmor vm0, vm10  }
0x14d: {  	vm0 =	vmor vm0, vm11;
	vm12 =	veq.s32 v3, $0x0  }
0x14e: {  	vm13 =	veq.s32 v61, $0x0;
	vm0 =	vmor vm0, vm12  }
.Ltmp3:
0x14f: {  	vm14 =	veq.s32 v62, $0x0;
	vm0 =	vmor vm0, vm13;
	(pc) =	sbr.rel .LBB2_4-.Ltmp3, $4  }
0x150: {  	vm15 =	veq.s32 v63, $0x0;
	vm0 =	vmor vm0, vm14  }
0x151: {  	vm0 =	vmor vm0, vm15  }
0x152: {  	s22 =	simm.s32 $0x2780;
	s23 =	simm.s32 $0x4F00;
	v3 =	vsel vm0, $0x1, v1  }
0x153: {  	s25 =	simm.s32 $0x0;
	s24 =	simm.s32 $0x0;
	s21 =	simm.s32 $0x0;
	[tilespmem:$0xD480] =	vst v3  }
.LBB2_8:
0x154: {  	s24 =	sadd.s32 $0x1, s24  }
0x155: {  	p1 =	sne.s32 s24, $0x19  }
.Ltmp4:
0x156: {  	_ = 	snop;
	(pc) =	sbr.rel @!p1 .LBB2_9-.Ltmp4, $2  }
0x157: {  	_ =	sdelay $0x2  }
0x158: {  	s21 =	sadd.s32 $0x190, s21;
	s22 =	sadd.s32 $0x190, s22;
	s23 =	sadd.s32 $0x190, s23  }
.LBB2_4:
0x159: {  	s26 =	sshll.u32 s24, $0x4  }
0x15a: {  	s26 =	sand.u32 $0x3FFFFFF0, s26  }
0x15b: {  	v3 =	vld [tilespmem:s26+$0xD300];
	_ =	sdelay $0x4  }
0x15c: {  	vm0 =	vgt.s32 v3, $0x0  }
0x15d: {  	v3 =	vmpcnt.ones.xlane vm0;
	_ =	sdelay $0x1  }
0x15e: {  	(v2sf) =	vpush v3, $0x0;
	_ =	sdelay $0xe  }
0x15f: {  	s31 =	spop (v2sf)  }
0x160: {  	p1 =	slt.s32 s31, $0x1  }
.Ltmp5:
0x161: {  	_ = 	snop;
	(pc) =	sbr.rel @p1 .LBB2_8-.Ltmp5, $1  }
0x162: {  	_ =	sdelay $0x3  }
0x163: {  	s26 =	sadd.s32 $0x0, s21  }
0x164: {  	v3 =	vld [tilespmem:s26+$0x0];
	_ =	sdelay $0x4  }
0x165: {  	vm0 =	veq.s32 v3, $0x0  }
0x166: {  	v4 =	vmpcnt.ones.xlane vm0;
	_ =	sdelay $0x1  }
0x167: {  	(v2sf) =	vpush v4, $0x0;
	_ =	sdelay $0xe  }
0x168: {  	s28 =	spop (v2sf)  }
0x169: {  	p2 =	slt.s32 s28, $0x1  }
0x16a: {  	v4 =	vld @!p2 [tilespmem:$0xD280];
	_ =	sdelay $0x2  }
0x16b: {  	v5 =	vimm.f32 @!p2 $0.0e+00;
	vm0 =	veq.s32 @!p2 v3, $0x0  }
0x16c: {  	v3 =	vsel @!p2 vm0, $0x3F800000, v5  }
0x16d: {  	v3 =	vadd.f32 @!p2 v4, v3;
	_ =	sdelay $0x1  }
0x16e: {  	s26 =	sadd.s32 @!p2 $0x0, s22;
	[tilespmem:$0xD280] =	vst @!p2 v3  }
0x16f: {  	v3 =	vld @!p2 [tilespmem:s26+$0x0];
	_ =	sdelay $0x4  }
0x170: {  	s30 =	sadd.s32 @!p2 $0x0, s23;
	[tilespmem:s25+$0x7680] =	vst.msk @!p2 vm0, v3  }
0x171: {  	v3 =	vld @!p2 [tilespmem:s30+$0x0];
	_ =	sdelay $0x1  }
0x172: {  	s29 =	sadd.s32 @!p2 s25, s28;
	s28 =	simm.s32 $0x80  }
0x173: {  	s29 =	smov.u32 @p2 s25;
	s26 =	simm.s32 $0x40;
	s30 =	simm.s32 $0x10  }
.LBB2_6:
0x174: {  	s31 =	smov.u32 s29  }
0x175: {  	s29 =	sadd.s32 s30, s21;
	s30 =	smov.u32 s28;
	s28 =	sadd.s32 $0x40, s28;
	[tilespmem:s25+$0x9E00] =	vst.msk @!p2 vm0, v3  }
0x176: {  	p1 =	sne.s32 s28, $0x640;
	s25 =	smov.u32 s31;
	v3 =	vld [tilespmem:s29+$0x0];
	_ =	sdelay $0x4  }
0x177: {  	vm0 =	veq.s32 v3, $0x0  }
0x178: {  	v4 =	vmpcnt.ones.xlane vm0;
	_ =	sdelay $0x1  }
0x179: {  	(v2sf) =	vpush v4, $0x0;
	_ =	sdelay $0xe  }
0x17a: {  	s29 =	spop (v2sf)  }
0x17b: {  	p2 =	slt.s32 s29, $0x1  }
0x17c: {  	v4 =	vld @!p2 [tilespmem:$0xD280];
	v5 =	vimm.f32 @!p2 $0.0e+00;
	s1 =	sshra.s32 @!p2 s26, $0x2;
	s29 =	sadd.s32 @!p2 s31, s29;
	s26 =	smov.u32 s30  }
0x17d: {  	s30 =	sadd.s32 @!p2 s1, s22;
	s1 =	sadd.s32 @!p2 s1, s23;
	s29 =	smov.u32 @p2 s31  }
0x17e: {  	_ = 	snop  }
0x17f: {  	vm0 =	veq.s32 @!p2 v3, $0x0  }
0x180: {  	v3 =	vsel @!p2 vm0, $0x3F800000, v5  }
0x181: {  	v3 =	vadd.f32 @!p2 v4, v3;
	_ =	sdelay $0x1  }
0x182: {  	[tilespmem:$0xD280] =	vst @!p2 v3  }
0x183: {  	v3 =	vld @!p2 [tilespmem:s30+$0x0];
	_ =	sdelay $0x4  }
0x184: {  	[tilespmem:s25+$0x7680] =	vst.msk @!p2 vm0, v3  }
.Ltmp6:
0x185: {  	v3 =	vld @!p2 [tilespmem:s1+$0x0];
	(pc) =	sbr.rel @p1 .LBB2_6-.Ltmp6, $2  }
0x186: {  	_ =	sdelay $0x2  }
0x187: {  	s30 =	sshra.s32 s26, $0x2  }
0x188: {  	s1 =	sadd.s32 s30, s21;
	[tilespmem:s25+$0x9E00] =	vst.msk @!p2 vm0, v3  }
0x189: {  	v3 =	vld [tilespmem:s1+$0x0];
	_ =	sdelay $0x4  }
0x18a: {  	vm15 =	veq.s32 v3, $0x0  }
0x18b: {  	v4 =	vmpcnt.ones.xlane vm15;
	_ =	sdelay $0x1  }
0x18c: {  	(v2sf) =	vpush v4, $0x0;
	_ =	sdelay $0xe  }
0x18d: {  	s1 =	spop (v2sf)  }
0x18e: {  	p1 =	slt.s32 s1, $0x1  }
0x18f: {  	v4 =	vld @!p1 [tilespmem:$0xD280];
	_ =	sdelay $0x2  }
0x190: {  	v5 =	vimm.f32 @!p1 $0.0e+00;
	vm0 =	veq.s32 @!p1 v3, $0x0  }
0x191: {  	v3 =	vsel @!p1 vm0, $0x3F800000, v5  }
0x192: {  	v3 =	vadd.f32 @!p1 v4, v3  }
0x193: {  	s25 =	sshra.s32 @!p1 s26, $0x2  }
0x194: {  	s26 =	sadd.s32 @!p1 s25, s22;
	[tilespmem:$0xD280] =	vst @!p1 v3  }
0x195: {  	v3 =	vld @!p1 [tilespmem:s26+$0x0];
	_ =	sdelay $0x4  }
0x196: {  	s25 =	sadd.s32 @!p1 s25, s23;
	[tilespmem:s29+$0x7680] =	vst.msk @!p1 vm0, v3  }
0x197: {  	v3 =	vld @!p1 [tilespmem:s25+$0x0]  }
.Ltmp7:
0x198: {  	_ = 	snop;
	(pc) =	sbr.rel .LBB2_8-.Ltmp7, $3  }
0x199: {  	_ =	sdelay $0x1  }
0x19a: {  	s25 =	sadd.s32 @!p1 s29, s1  }
0x19b: {  	s25 =	smov.u32 @p1 s29;
	[tilespmem:s29+$0x9E00] =	vst.msk @!p1 vm0, v3  }
.LBB2_9:
0x19c: {  	s1 =	sadd.s32 $0xF, s25  }
0x19d: {  	s21 =	sand.u32 $0xF, s1  }
0x19e: {  	s31 =	sshra.s32 s1, $0x1F;
	p2 =	slt.s32 s1, $0x1;
	p1 =	sne.s32 s21, $0x0  }
0x19f: {  	s21 =	sshrl.u32 s31, $0x1C;
	p1 =	por !p2, !p1  }
0x1a0: {  	s1 =	sadd.s32 s21, s1;
	s21 =	simm.s32 $0x1;
	p1 =	por !p1, !p1  }
0x1a1: {  	s1 =	sshra.s32 s1, $0x4;
	s21 =	simm.s32 @!p1 $0x0  }
0x1a2: {  	s23 =	ssub.s32 s1, s21  }
0x1a3: {  	p1 =	slt.s32 s23, $0x1  }
.Ltmp8:
0x1a4: {  	_ = 	snop;
	(pc) =	sbr.rel @p1 .LBB2_13-.Ltmp8, $3  }
0x1a5: {  	_ =	sdelay $0x1  }
0x1a6: {  	[tilespmem:s25+$0x7680] =	vst v1  }
0x1a7: {  	[tilespmem:s25+$0x9E00] =	vst v2  }
0x1a8: {  	s21 =	simm.s32 $0x7680  }
0x1a9: {  	v3 =	vld [tilespmem:s21+$0x0];
	_ =	sdelay $0x4  }
0x1aa: {  	s22 =	simm.s32 $0x9E00;
	[tilespmem:$0xC580] =	vst v3  }
0x1ab: {  	v3 =	vld [tilespmem:s22+$0x0];
	_ =	sdelay $0x4  }
0x1ac: {  	[tilespmem:$0xC600] =	vst v3  }
0x1ad: {  	[tilespmem:s16], [sflag:$0x1] =	stream.indirect.gather [hbm4b:s0+s14], $0x80, s15, s14, $0xb8;
	[tilespmem:$0xD530] =	vst v63  }
0x1ae: {  	p1 =	sne.s32 s23, $0x1;
	_ =	swait.ge [sflag:s13], $0x800  }
.Ltmp9:
0x1af: {  	[sflag:s13] =	ssyncset.done $0x0;
	(pc) =	sbr.rel @!p1 .LBB2_12-.Ltmp9, $4  }
0x1b0: {  	[sflag:s13] =	ssyncadd.s32 $0xFFFFF800  }
0x1b1: {  	[spmem:s2] =	stream.indirect.scatter.add.f32 [tilespmem:s16], [sflag:$0x3], $0x80, s17, s14, $0xb8;
	[tilespmem:$0xD530] =	vst v63  }
0x1b2: {  	_ =	swait.ge [sflag:s18], $0x800  }
0x1b3: {  	s23 =	sadd.s32 $0xFFFFFFFF, s23;
	[sflag:s18] =	ssyncset.done $0x0  }
.LBB2_11:
0x1b4: {  	[sflag:s18] =	ssyncadd.s32 $0xFFFFF800;
	s21 =	sadd.s32 $0x10, s21;
	s22 =	sadd.s32 $0x10, s22  }
0x1b5: {  	p1 =	sne.s32 s23, $0x1;
	s23 =	sadd.s32 $0xFFFFFFFF, s23;
	v3 =	vld [tilespmem:s21+$0x0];
	_ =	sdelay $0x4  }
0x1b6: {  	[tilespmem:$0xC580] =	vst v3  }
0x1b7: {  	v3 =	vld [tilespmem:s22+$0x0];
	_ =	sdelay $0x4  }
0x1b8: {  	[tilespmem:$0xC600] =	vst v3  }
0x1b9: {  	[tilespmem:s16], [sflag:$0x1] =	stream.indirect.gather [hbm4b:s0+s14], $0x80, s15, s14, $0xb8;
	[tilespmem:$0xD530] =	vst v63  }
0x1ba: {  	_ =	swait.ge [sflag:s13], $0x800  }
.Ltmp10:
0x1bb: {  	[sflag:s13] =	ssyncset.done $0x0;
	(pc) =	sbr.rel @p1 .LBB2_11-.Ltmp10, $4  }
0x1bc: {  	[sflag:s13] =	ssyncadd.s32 $0xFFFFF800  }
0x1bd: {  	[spmem:s2] =	stream.indirect.scatter.add.f32 [tilespmem:s16], [sflag:$0x3], $0x80, s17, s14, $0xb8;
	[tilespmem:$0xD530] =	vst v63  }
0x1be: {  	_ =	swait.ge [sflag:s18], $0x800  }
0x1bf: {  	[sflag:s18] =	ssyncset.done $0x0  }
.Ltmp11:
0x1c0: {  	_ = 	snop;
	(pc) =	sbr.rel .LBB2_12-.Ltmp11, $1  }
0x1c1: {  	_ =	sdelay $0x3  }
.LBB2_14:
0x1c2: {  	_ =	sfence.sel $0x180000  }
0x1c3: {  	[bflag:$0x0] =	sbarrier.arrive $0xFFFF  }
0x1c4: {  	_ =	strace $0x90000047  }
0x1c5: {  	[bflag:$0x2] =	sbarrier.arrive $0xFFFF  }
0x1c6: {  	s0 =	rddreg [dreg:$0x6]  }
0x1c7: {  	s0 =	sadd.s32 @!p0 $0x100000, s0  }
0x1c8: {  	[sflag:s0] =	ssyncadd.tile.s32 @!p0 $0x1;
	_ =	shalt  }
.Lfunc_end2:
_tile_overlayer_lowered:
.L_overlay_start_2:
0x1c9: {  	(tag) =	ssettag $0x2  }
0x1ca: {  	s0 =	rddreg [dreg:$0x0];
	s2 =	stileid.u32  }
0x1cb: {  	s1 =	rddreg [dreg:$0x1];
	p0 =	sne.s32 s2, $0x0  }
0x1cc: {  	s3 =	rddreg [dreg:$0x2];
	[bflag:$0x3] =	sbarrier.arrive $0xFFFF;
	s2 =	simm.s32 @!p0 $0x1C03  }
0x1cd: {  	[timem:s3], [sflag:s2] =	dma.local @!p0 [hbm:s0], s1  }
0x1ce: {  	s0 =	simm.s32 @!p0 $0x3  }
0x1cf: {  	_ =	swait.ge @!p0 [sflag:s0], s1  }
0x1d0: {  	s1 =	ssub.s32 @!p0 $0x0, s1;
	[sflag:s0] =	ssyncset.done @!p0 $0x0  }
0x1d1: {  	[sflag:s0] =	ssyncadd.s32 @!p0 s1  }
0x1d2: {  	[bflag:$0x3] =	sbarrier.arrive $0xFFFF  }
0x1d3: {  	_ =	shalt  }

</sc_bundles>
